<compile_context>
chip_gen: v7x
topology: tpu7x:2x2x1
jax: 0.10.2.dev20260603
libtpu: 0.0.44.dev20260713+nightly
codegen_flags: <defaults>
</compile_context>

<pallas_src>
import functools

import jax
from jax import lax
from jax.experimental import pallas as pl
from jax.experimental.pallas import tpu as pltpu
from jax.experimental.pallas import tpu_sc as plsc


def _sc_row_copy(src, n_rows, chunk=32, nbuf=14):
    dim = src.shape[1]
    info = plsc.get_sparse_core_info()
    nc = info.num_cores
    nw = nc * info.num_subcores
    rows_per_w = n_rows // nw
    n_chunks = rows_per_w // chunk
    assert n_rows % nw == 0 and rows_per_w % chunk == 0
    nbuf = min(nbuf, n_chunks)

    mesh = plsc.VectorSubcoreMesh(core_axis_name="c", subcore_axis_name="s")

    @functools.partial(
        pl.kernel,
        mesh=mesh,
        out_type=jax.ShapeDtypeStruct((n_rows, dim), src.dtype),
        scratch_types=(
            [pltpu.VMEM((chunk, dim), src.dtype)] * nbuf
            + [pltpu.SemaphoreType.DMA] * (2 * nbuf)
        ),
    )
    def body(src_hbm, dst_hbm, *scratch):
        bufs = scratch[:nbuf]
        sin = scratch[nbuf:2 * nbuf]
        sout = scratch[2 * nbuf:]
        wid = lax.axis_index("s") * nc + lax.axis_index("c")
        base = wid * rows_per_w

        def in_copy(i):
            return pltpu.make_async_copy(
                src_hbm.at[pl.ds(base + i * chunk, chunk)],
                bufs[i % nbuf], sin[i % nbuf])

        def out_copy(i):
            return pltpu.make_async_copy(
                bufs[i % nbuf],
                dst_hbm.at[pl.ds(base + i * chunk, chunk)], sout[i % nbuf])

        for j in range(nbuf):
            in_copy(j).start()
        for i in range(n_chunks):
            in_copy(i).wait()
            out_copy(i).start()
            if i + nbuf < n_chunks:
                out_copy(i).wait()
                in_copy(i + nbuf).start()
        for i in range(max(0, n_chunks - nbuf), n_chunks):
            out_copy(i).wait()

    return body(src[:n_rows])


def kernel(item, out):
    max_length = out.shape[0]
    b = item.shape[0]
    if max_length == 0:
        return item
    if b < max_length:
        return _sc_row_copy(item, b)
    filled = _sc_row_copy(item, max_length)
    tail = item[max_length:]
    if tail.shape[0]:
        filled = jax.lax.dynamic_update_slice(filled, tail, (0, 0))
    return filled

# --- scband reference (transcript-rebuilt; emitter-appended) ---
"""Pipeline reference for scband-unsorted-queue-7627861918245 (READ-ONLY COPY).

The authoritative reference and input builder live on the scoring server;
editing this copy changes nothing except your own understanding.
"""

import jax, jax.numpy as jnp
import numpy as np

MAX_LENGTH = 65536
BATCH = 16384
DIM = 256


def setup_inputs(seed: int = 0) -> dict:
    key = jax.random.key(seed)
    item = jax.random.normal(key, (BATCH, DIM), dtype=jnp.float32)
    # Module buffer state: circular queue storage, initialized to zeros
    out = jnp.zeros((MAX_LENGTH, DIM), dtype=jnp.float32)
    return {"item": item, "out": out}


def reference(item, out):
    # Faithful translation of UnsortedQueue.append with initial state
    # pointer=0, filled=False (fresh module buffers).
    max_length = out.shape[0]
    pointer = 0
    filled = False
    b = item.shape[0]
    if max_length == 0:
        return item
    if pointer + b < max_length:
        out = out.at[pointer:pointer + b].set(item)
        pointer = pointer + b
    else:
        remaining = max_length - pointer
        out = out.at[max_length - remaining:].set(item[:remaining])
        out = out.at[:b - remaining].set(item[remaining:])
        pointer = b - remaining
        filled = True
    return out if filled else out[:pointer]

if __name__ == "__main__":
    import jax
    _d = setup_inputs()
    print(jax.jit(kernel)(*tuple(_d.values())))

</pallas_src>

<mosaic_0001>
#map = affine_map<(d0, d1) -> (0, 0)>
module attributes {stable_mosaic.version = 14 : i64} {
  func.func @body(%arg0: i32, %arg1: i32, %arg2: memref<16384x256xf32, #tpu.memory_space<hbm>>, %arg3: memref<16384x256xf32, #tpu.memory_space<hbm>>, %arg4: memref<32x256xf32, #tpu.memory_space<vmem>>, %arg5: memref<32x256xf32, #tpu.memory_space<vmem>>, %arg6: memref<32x256xf32, #tpu.memory_space<vmem>>, %arg7: memref<32x256xf32, #tpu.memory_space<vmem>>, %arg8: memref<32x256xf32, #tpu.memory_space<vmem>>, %arg9: memref<32x256xf32, #tpu.memory_space<vmem>>, %arg10: memref<32x256xf32, #tpu.memory_space<vmem>>, %arg11: memref<32x256xf32, #tpu.memory_space<vmem>>, %arg12: memref<32x256xf32, #tpu.memory_space<vmem>>, %arg13: memref<32x256xf32, #tpu.memory_space<vmem>>, %arg14: memref<32x256xf32, #tpu.memory_space<vmem>>, %arg15: memref<32x256xf32, #tpu.memory_space<vmem>>, %arg16: memref<32x256xf32, #tpu.memory_space<vmem>>, %arg17: memref<32x256xf32, #tpu.memory_space<vmem>>, %arg18: memref<!tpu.dma_semaphore, #tpu.memory_space<semaphore_mem>>, %arg19: memref<!tpu.dma_semaphore, #tpu.memory_space<semaphore_mem>>, %arg20: memref<!tpu.dma_semaphore, #tpu.memory_space<semaphore_mem>>, %arg21: memref<!tpu.dma_semaphore, #tpu.memory_space<semaphore_mem>>, %arg22: memref<!tpu.dma_semaphore, #tpu.memory_space<semaphore_mem>>, %arg23: memref<!tpu.dma_semaphore, #tpu.memory_space<semaphore_mem>>, %arg24: memref<!tpu.dma_semaphore, #tpu.memory_space<semaphore_mem>>, %arg25: memref<!tpu.dma_semaphore, #tpu.memory_space<semaphore_mem>>, %arg26: memref<!tpu.dma_semaphore, #tpu.memory_space<semaphore_mem>>, %arg27: memref<!tpu.dma_semaphore, #tpu.memory_space<semaphore_mem>>, %arg28: memref<!tpu.dma_semaphore, #tpu.memory_space<semaphore_mem>>, %arg29: memref<!tpu.dma_semaphore, #tpu.memory_space<semaphore_mem>>, %arg30: memref<!tpu.dma_semaphore, #tpu.memory_space<semaphore_mem>>, %arg31: memref<!tpu.dma_semaphore, #tpu.memory_space<semaphore_mem>>, %arg32: memref<!tpu.dma_semaphore, #tpu.memory_space<semaphore_mem>>, %arg33: memref<!tpu.dma_semaphore, #tpu.memory_space<semaphore_mem>>, %arg34: memref<!tpu.dma_semaphore, #tpu.memory_space<semaphore_mem>>, %arg35: memref<!tpu.dma_semaphore, #tpu.memory_space<semaphore_mem>>, %arg36: memref<!tpu.dma_semaphore, #tpu.memory_space<semaphore_mem>>, %arg37: memref<!tpu.dma_semaphore, #tpu.memory_space<semaphore_mem>>, %arg38: memref<!tpu.dma_semaphore, #tpu.memory_space<semaphore_mem>>, %arg39: memref<!tpu.dma_semaphore, #tpu.memory_space<semaphore_mem>>, %arg40: memref<!tpu.dma_semaphore, #tpu.memory_space<semaphore_mem>>, %arg41: memref<!tpu.dma_semaphore, #tpu.memory_space<semaphore_mem>>, %arg42: memref<!tpu.dma_semaphore, #tpu.memory_space<semaphore_mem>>, %arg43: memref<!tpu.dma_semaphore, #tpu.memory_space<semaphore_mem>>, %arg44: memref<!tpu.dma_semaphore, #tpu.memory_space<semaphore_mem>>, %arg45: memref<!tpu.dma_semaphore, #tpu.memory_space<semaphore_mem>>) attributes {dimension_semantics = [#tpu.dimension_semantics<core_parallel>, #tpu.dimension_semantics<subcore_parallel>], iteration_bounds = array<i64: 2, 16>, scalar_prefetch = 0 : i64, scratch_operands = 42 : i64, tpu.core_type = #tpu.core_type<sc_vector_subcore>, window_params = [{transform_indices = #map}, {transform_indices = #map}]} {
    %mul3A = arith.constant 2 : i32
    %mul3A_0 = arith.muli %arg1, %mul3A : i32
    %add3A = arith.addi %mul3A_0, %arg0 : i32
    %mul3A_1 = arith.constant 512 : i32
    %mul3A_2 = arith.muli %add3A, %mul3A_1 : i32
    %add3A_3 = arith.constant 0 : i32
    %add3A_4 = arith.addi %mul3A_2, %add3A_3 : i32
    %dma_start3A = arith.constant 0 : i32
    %dma_start3A_5 = tpu.memref_slice %arg2[%add3A_4, %dma_start3A] : memref<16384x256xf32, #tpu.memory_space<hbm>> -> memref<32x256xf32, #tpu.memory_space<hbm>>
    %dma_start3A_6 = arith.constant 0 : i32
    %dma_start3A_7 = tpu.memref_slice %arg2[%add3A_4, %dma_start3A_6] : memref<16384x256xf32, #tpu.memory_space<hbm>> -> memref<32x256xf32, #tpu.memory_space<hbm>>
    tpu.enqueue_dma source(%dma_start3A_7 : memref<32x256xf32, #tpu.memory_space<hbm>>) target(%arg4 : memref<32x256xf32, #tpu.memory_space<vmem>>) target_semaphore(%arg18 : memref<!tpu.dma_semaphore, #tpu.memory_space<semaphore_mem>>)
    %add3A_8 = arith.constant 32 : i32
    %add3A_9 = arith.addi %mul3A_2, %add3A_8 : i32
    %dma_start3A_10 = arith.constant 0 : i32
    %dma_start3A_11 = tpu.memref_slice %arg2[%add3A_9, %dma_start3A_10] : memref<16384x256xf32, #tpu.memory_space<hbm>> -> memref<32x256xf32, #tpu.memory_space<hbm>>
    %dma_start3A_12 = arith.constant 0 : i32
    %dma_start3A_13 = tpu.memref_slice %arg2[%add3A_9, %dma_start3A_12] : memref<16384x256xf32, #tpu.memory_space<hbm>> -> memref<32x256xf32, #tpu.memory_space<hbm>>
    tpu.enqueue_dma source(%dma_start3A_13 : memref<32x256xf32, #tpu.memory_space<hbm>>) target(%arg5 : memref<32x256xf32, #tpu.memory_space<vmem>>) target_semaphore(%arg19 : memref<!tpu.dma_semaphore, #tpu.memory_space<semaphore_mem>>)
    %add3A_14 = arith.constant 64 : i32
    %add3A_15 = arith.addi %mul3A_2, %add3A_14 : i32
    %dma_start3A_16 = arith.constant 0 : i32
    %dma_start3A_17 = tpu.memref_slice %arg2[%add3A_15, %dma_start3A_16] : memref<16384x256xf32, #tpu.memory_space<hbm>> -> memref<32x256xf32, #tpu.memory_space<hbm>>
    %dma_start3A_18 = arith.constant 0 : i32
    %dma_start3A_19 = tpu.memref_slice %arg2[%add3A_15, %dma_start3A_18] : memref<16384x256xf32, #tpu.memory_space<hbm>> -> memref<32x256xf32, #tpu.memory_space<hbm>>
    tpu.enqueue_dma source(%dma_start3A_19 : memref<32x256xf32, #tpu.memory_space<hbm>>) target(%arg6 : memref<32x256xf32, #tpu.memory_space<vmem>>) target_semaphore(%arg20 : memref<!tpu.dma_semaphore, #tpu.memory_space<semaphore_mem>>)
    %add3A_20 = arith.constant 96 : i32
    %add3A_21 = arith.addi %mul3A_2, %add3A_20 : i32
    %dma_start3A_22 = arith.constant 0 : i32
    %dma_start3A_23 = tpu.memref_slice %arg2[%add3A_21, %dma_start3A_22] : memref<16384x256xf32, #tpu.memory_space<hbm>> -> memref<32x256xf32, #tpu.memory_space<hbm>>
    %dma_start3A_24 = arith.constant 0 : i32
    %dma_start3A_25 = tpu.memref_slice %arg2[%add3A_21, %dma_start3A_24] : memref<16384x256xf32, #tpu.memory_space<hbm>> -> memref<32x256xf32, #tpu.memory_space<hbm>>
    tpu.enqueue_dma source(%dma_start3A_25 : memref<32x256xf32, #tpu.memory_space<hbm>>) target(%arg7 : memref<32x256xf32, #tpu.memory_space<vmem>>) target_semaphore(%arg21 : memref<!tpu.dma_semaphore, #tpu.memory_space<semaphore_mem>>)
    %add3A_26 = arith.constant 128 : i32
    %add3A_27 = arith.addi %mul3A_2, %add3A_26 : i32
    %dma_start3A_28 = arith.constant 0 : i32
    %dma_start3A_29 = tpu.memref_slice %arg2[%add3A_27, %dma_start3A_28] : memref<16384x256xf32, #tpu.memory_space<hbm>> -> memref<32x256xf32, #tpu.memory_space<hbm>>
    %dma_start3A_30 = arith.constant 0 : i32
    %dma_start3A_31 = tpu.memref_slice %arg2[%add3A_27, %dma_start3A_30] : memref<16384x256xf32, #tpu.memory_space<hbm>> -> memref<32x256xf32, #tpu.memory_space<hbm>>
    tpu.enqueue_dma source(%dma_start3A_31 : memref<32x256xf32, #tpu.memory_space<hbm>>) target(%arg8 : memref<32x256xf32, #tpu.memory_space<vmem>>) target_semaphore(%arg22 : memref<!tpu.dma_semaphore, #tpu.memory_space<semaphore_mem>>)
    %add3A_32 = arith.constant 160 : i32
    %add3A_33 = arith.addi %mul3A_2, %add3A_32 : i32
    %dma_start3A_34 = arith.constant 0 : i32
    %dma_start3A_35 = tpu.memref_slice %arg2[%add3A_33, %dma_start3A_34] : memref<16384x256xf32, #tpu.memory_space<hbm>> -> memref<32x256xf32, #tpu.memory_space<hbm>>
    %dma_start3A_36 = arith.constant 0 : i32
    %dma_start3A_37 = tpu.memref_slice %arg2[%add3A_33, %dma_start3A_36] : memref<16384x256xf32, #tpu.memory_space<hbm>> -> memref<32x256xf32, #tpu.memory_space<hbm>>
    tpu.enqueue_dma source(%dma_start3A_37 : memref<32x256xf32, #tpu.memory_space<hbm>>) target(%arg9 : memref<32x256xf32, #tpu.memory_space<vmem>>) target_semaphore(%arg23 : memref<!tpu.dma_semaphore, #tpu.memory_space<semaphore_mem>>)
    %add3A_38 = arith.constant 192 : i32
    %add3A_39 = arith.addi %mul3A_2, %add3A_38 : i32
    %dma_start3A_40 = arith.constant 0 : i32
    %dma_start3A_41 = tpu.memref_slice %arg2[%add3A_39, %dma_start3A_40] : memref<16384x256xf32, #tpu.memory_space<hbm>> -> memref<32x256xf32, #tpu.memory_space<hbm>>
    %dma_start3A_42 = arith.constant 0 : i32
    %dma_start3A_43 = tpu.memref_slice %arg2[%add3A_39, %dma_start3A_42] : memref<16384x256xf32, #tpu.memory_space<hbm>> -> memref<32x256xf32, #tpu.memory_space<hbm>>
    tpu.enqueue_dma source(%dma_start3A_43 : memref<32x256xf32, #tpu.memory_space<hbm>>) target(%arg10 : memref<32x256xf32, #tpu.memory_space<vmem>>) target_semaphore(%arg24 : memref<!tpu.dma_semaphore, #tpu.memory_space<semaphore_mem>>)
    %add3A_44 = arith.constant 224 : i32
    %add3A_45 = arith.addi %mul3A_2, %add3A_44 : i32
    %dma_start3A_46 = arith.constant 0 : i32
    %dma_start3A_47 = tpu.memref_slice %arg2[%add3A_45, %dma_start3A_46] : memref<16384x256xf32, #tpu.memory_space<hbm>> -> memref<32x256xf32, #tpu.memory_space<hbm>>
    %dma_start3A_48 = arith.constant 0 : i32
    %dma_start3A_49 = tpu.memref_slice %arg2[%add3A_45, %dma_start3A_48] : memref<16384x256xf32, #tpu.memory_space<hbm>> -> memref<32x256xf32, #tpu.memory_space<hbm>>
    tpu.enqueue_dma source(%dma_start3A_49 : memref<32x256xf32, #tpu.memory_space<hbm>>) target(%arg11 : memref<32x256xf32, #tpu.memory_space<vmem>>) target_semaphore(%arg25 : memref<!tpu.dma_semaphore, #tpu.memory_space<semaphore_mem>>)
    %add3A_50 = arith.constant 256 : i32
    %add3A_51 = arith.addi %mul3A_2, %add3A_50 : i32
    %dma_start3A_52 = arith.constant 0 : i32
    %dma_start3A_53 = tpu.memref_slice %arg2[%add3A_51, %dma_start3A_52] : memref<16384x256xf32, #tpu.memory_space<hbm>> -> memref<32x256xf32, #tpu.memory_space<hbm>>
    %dma_start3A_54 = arith.constant 0 : i32
    %dma_start3A_55 = tpu.memref_slice %arg2[%add3A_51, %dma_start3A_54] : memref<16384x256xf32, #tpu.memory_space<hbm>> -> memref<32x256xf32, #tpu.memory_space<hbm>>
    tpu.enqueue_dma source(%dma_start3A_55 : memref<32x256xf32, #tpu.memory_space<hbm>>) target(%arg12 : memref<32x256xf32, #tpu.memory_space<vmem>>) target_semaphore(%arg26 : memref<!tpu.dma_semaphore, #tpu.memory_space<semaphore_mem>>)
    %add3A_56 = arith.constant 288 : i32
    %add3A_57 = arith.addi %mul3A_2, %add3A_56 : i32
    %dma_start3A_58 = arith.constant 0 : i32
    %dma_start3A_59 = tpu.memref_slice %arg2[%add3A_57, %dma_start3A_58] : memref<16384x256xf32, #tpu.memory_space<hbm>> -> memref<32x256xf32, #tpu.memory_space<hbm>>
    %dma_start3A_60 = arith.constant 0 : i32
    %dma_start3A_61 = tpu.memref_slice %arg2[%add3A_57, %dma_start3A_60] : memref<16384x256xf32, #tpu.memory_space<hbm>> -> memref<32x256xf32, #tpu.memory_space<hbm>>
    tpu.enqueue_dma source(%dma_start3A_61 : memref<32x256xf32, #tpu.memory_space<hbm>>) target(%arg13 : memref<32x256xf32, #tpu.memory_space<vmem>>) target_semaphore(%arg27 : memref<!tpu.dma_semaphore, #tpu.memory_space<semaphore_mem>>)
    %add3A_62 = arith.constant 320 : i32
    %add3A_63 = arith.addi %mul3A_2, %add3A_62 : i32
    %dma_start3A_64 = arith.constant 0 : i32
    %dma_start3A_65 = tpu.memref_slice %arg2[%add3A_63, %dma_start3A_64] : memref<16384x256xf32, #tpu.memory_space<hbm>> -> memref<32x256xf32, #tpu.memory_space<hbm>>
    %dma_start3A_66 = arith.constant 0 : i32
    %dma_start3A_67 = tpu.memref_slice %arg2[%add3A_63, %dma_start3A_66] : memref<16384x256xf32, #tpu.memory_space<hbm>> -> memref<32x256xf32, #tpu.memory_space<hbm>>
    tpu.enqueue_dma source(%dma_start3A_67 : memref<32x256xf32, #tpu.memory_space<hbm>>) target(%arg14 : memref<32x256xf32, #tpu.memory_space<vmem>>) target_semaphore(%arg28 : memref<!tpu.dma_semaphore, #tpu.memory_space<semaphore_mem>>)
    %add3A_68 = arith.constant 352 : i32
    %add3A_69 = arith.addi %mul3A_2, %add3A_68 : i32
    %dma_start3A_70 = arith.constant 0 : i32
    %dma_start3A_71 = tpu.memref_slice %arg2[%add3A_69, %dma_start3A_70] : memref<16384x256xf32, #tpu.memory_space<hbm>> -> memref<32x256xf32, #tpu.memory_space<hbm>>
    %dma_start3A_72 = arith.constant 0 : i32
    %dma_start3A_73 = tpu.memref_slice %arg2[%add3A_69, %dma_start3A_72] : memref<16384x256xf32, #tpu.memory_space<hbm>> -> memref<32x256xf32, #tpu.memory_space<hbm>>
    tpu.enqueue_dma source(%dma_start3A_73 : memref<32x256xf32, #tpu.memory_space<hbm>>) target(%arg15 : memref<32x256xf32, #tpu.memory_space<vmem>>) target_semaphore(%arg29 : memref<!tpu.dma_semaphore, #tpu.memory_space<semaphore_mem>>)
    %add3A_74 = arith.constant 384 : i32
    %add3A_75 = arith.addi %mul3A_2, %add3A_74 : i32
    %dma_start3A_76 = arith.constant 0 : i32
    %dma_start3A_77 = tpu.memref_slice %arg2[%add3A_75, %dma_start3A_76] : memref<16384x256xf32, #tpu.memory_space<hbm>> -> memref<32x256xf32, #tpu.memory_space<hbm>>
    %dma_start3A_78 = arith.constant 0 : i32
    %dma_start3A_79 = tpu.memref_slice %arg2[%add3A_75, %dma_start3A_78] : memref<16384x256xf32, #tpu.memory_space<hbm>> -> memref<32x256xf32, #tpu.memory_space<hbm>>
    tpu.enqueue_dma source(%dma_start3A_79 : memref<32x256xf32, #tpu.memory_space<hbm>>) target(%arg16 : memref<32x256xf32, #tpu.memory_space<vmem>>) target_semaphore(%arg30 : memref<!tpu.dma_semaphore, #tpu.memory_space<semaphore_mem>>)
    %add3A_80 = arith.constant 416 : i32
    %add3A_81 = arith.addi %mul3A_2, %add3A_80 : i32
    %dma_start3A_82 = arith.constant 0 : i32
    %dma_start3A_83 = tpu.memref_slice %arg2[%add3A_81, %dma_start3A_82] : memref<16384x256xf32, #tpu.memory_space<hbm>> -> memref<32x256xf32, #tpu.memory_space<hbm>>
    %dma_start3A_84 = arith.constant 0 : i32
    %dma_start3A_85 = tpu.memref_slice %arg2[%add3A_81, %dma_start3A_84] : memref<16384x256xf32, #tpu.memory_space<hbm>> -> memref<32x256xf32, #tpu.memory_space<hbm>>
    tpu.enqueue_dma source(%dma_start3A_85 : memref<32x256xf32, #tpu.memory_space<hbm>>) target(%arg17 : memref<32x256xf32, #tpu.memory_space<vmem>>) target_semaphore(%arg31 : memref<!tpu.dma_semaphore, #tpu.memory_space<semaphore_mem>>)
    %add3A_86 = arith.constant 0 : i32
    %add3A_87 = arith.addi %mul3A_2, %add3A_86 : i32
    %dma_wait3A = arith.constant 0 : i32
    %dma_wait3A_88 = tpu.memref_slice %arg2[%add3A_87, %dma_wait3A] : memref<16384x256xf32, #tpu.memory_space<hbm>> -> memref<32x256xf32, #tpu.memory_space<hbm>>
    %dma_wait3A_89 = arith.constant 0 : i32
    %dma_wait3A_90 = tpu.memref_slice %arg2[%add3A_87, %dma_wait3A_89] : memref<16384x256xf32, #tpu.memory_space<hbm>> -> memref<32x256xf32, #tpu.memory_space<hbm>>
    tpu.wait_dma2 semaphore(%arg18 : memref<!tpu.dma_semaphore, #tpu.memory_space<semaphore_mem>>) src(%dma_wait3A_90 : memref<32x256xf32, #tpu.memory_space<hbm>>) dst(%arg4 : memref<32x256xf32, #tpu.memory_space<vmem>>)
    %add3A_91 = arith.constant 0 : i32
    %add3A_92 = arith.addi %mul3A_2, %add3A_91 : i32
    %dma_start3A_93 = arith.constant 0 : i32
    %dma_start3A_94 = tpu.memref_slice %arg3[%add3A_92, %dma_start3A_93] : memref<16384x256xf32, #tpu.memory_space<hbm>> -> memref<32x256xf32, #tpu.memory_space<hbm>>
    %dma_start3A_95 = arith.constant 0 : i32
    %dma_start3A_96 = tpu.memref_slice %arg3[%add3A_92, %dma_start3A_95] : memref<16384x256xf32, #tpu.memory_space<hbm>> -> memref<32x256xf32, #tpu.memory_space<hbm>>
    tpu.enqueue_dma source(%arg4 : memref<32x256xf32, #tpu.memory_space<vmem>>) target(%dma_start3A_96 : memref<32x256xf32, #tpu.memory_space<hbm>>) target_semaphore(%arg32 : memref<!tpu.dma_semaphore, #tpu.memory_space<semaphore_mem>>)
    %add3A_97 = arith.constant 0 : i32
    %add3A_98 = arith.addi %mul3A_2, %add3A_97 : i32
    %dma_wait3A_99 = arith.constant 0 : i32
    %dma_wait3A_100 = tpu.memref_slice %arg3[%add3A_98, %dma_wait3A_99] : memref<16384x256xf32, #tpu.memory_space<hbm>> -> memref<32x256xf32, #tpu.memory_space<hbm>>
    %dma_wait3A_101 = arith.constant 0 : i32
    %dma_wait3A_102 = tpu.memref_slice %arg3[%add3A_98, %dma_wait3A_101] : memref<16384x256xf32, #tpu.memory_space<hbm>> -> memref<32x256xf32, #tpu.memory_space<hbm>>
    tpu.wait_dma2 semaphore(%arg32 : memref<!tpu.dma_semaphore, #tpu.memory_space<semaphore_mem>>) src(%arg4 : memref<32x256xf32, #tpu.memory_space<vmem>>) dst(%dma_wait3A_102 : memref<32x256xf32, #tpu.memory_space<hbm>>)
    %add3A_103 = arith.constant 448 : i32
    %add3A_104 = arith.addi %mul3A_2, %add3A_103 : i32
    %dma_start3A_105 = arith.constant 0 : i32
    %dma_start3A_106 = tpu.memref_slice %arg2[%add3A_104, %dma_start3A_105] : memref<16384x256xf32, #tpu.memory_space<hbm>> -> memref<32x256xf32, #tpu.memory_space<hbm>>
    %dma_start3A_107 = arith.constant 0 : i32
    %dma_start3A_108 = tpu.memref_slice %arg2[%add3A_104, %dma_start3A_107] : memref<16384x256xf32, #tpu.memory_space<hbm>> -> memref<32x256xf32, #tpu.memory_space<hbm>>
    tpu.enqueue_dma source(%dma_start3A_108 : memref<32x256xf32, #tpu.memory_space<hbm>>) target(%arg4 : memref<32x256xf32, #tpu.memory_space<vmem>>) target_semaphore(%arg18 : memref<!tpu.dma_semaphore, #tpu.memory_space<semaphore_mem>>)
    %add3A_109 = arith.constant 32 : i32
    %add3A_110 = arith.addi %mul3A_2, %add3A_109 : i32
    %dma_wait3A_111 = arith.constant 0 : i32
    %dma_wait3A_112 = tpu.memref_slice %arg2[%add3A_110, %dma_wait3A_111] : memref<16384x256xf32, #tpu.memory_space<hbm>> -> memref<32x256xf32, #tpu.memory_space<hbm>>
    %dma_wait3A_113 = arith.constant 0 : i32
    %dma_wait3A_114 = tpu.memref_slice %arg2[%add3A_110, %dma_wait3A_113] : memref<16384x256xf32, #tpu.memory_space<hbm>> -> memref<32x256xf32, #tpu.memory_space<hbm>>
    tpu.wait_dma2 semaphore(%arg19 : memref<!tpu.dma_semaphore, #tpu.memory_space<semaphore_mem>>) src(%dma_wait3A_114 : memref<32x256xf32, #tpu.memory_space<hbm>>) dst(%arg5 : memref<32x256xf32, #tpu.memory_space<vmem>>)
    %add3A_115 = arith.constant 32 : i32
    %add3A_116 = arith.addi %mul3A_2, %add3A_115 : i32
    %dma_start3A_117 = arith.constant 0 : i32
    %dma_start3A_118 = tpu.memref_slice %arg3[%add3A_116, %dma_start3A_117] : memref<16384x256xf32, #tpu.memory_space<hbm>> -> memref<32x256xf32, #tpu.memory_space<hbm>>
    %dma_start3A_119 = arith.constant 0 : i32
    %dma_start3A_120 = tpu.memref_slice %arg3[%add3A_116, %dma_start3A_119] : memref<16384x256xf32, #tpu.memory_space<hbm>> -> memref<32x256xf32, #tpu.memory_space<hbm>>
    tpu.enqueue_dma source(%arg5 : memref<32x256xf32, #tpu.memory_space<vmem>>) target(%dma_start3A_120 : memref<32x256xf32, #tpu.memory_space<hbm>>) target_semaphore(%arg33 : memref<!tpu.dma_semaphore, #tpu.memory_space<semaphore_mem>>)
    %add3A_121 = arith.constant 32 : i32
    %add3A_122 = arith.addi %mul3A_2, %add3A_121 : i32
    %dma_wait3A_123 = arith.constant 0 : i32
    %dma_wait3A_124 = tpu.memref_slice %arg3[%add3A_122, %dma_wait3A_123] : memref<16384x256xf32, #tpu.memory_space<hbm>> -> memref<32x256xf32, #tpu.memory_space<hbm>>
    %dma_wait3A_125 = arith.constant 0 : i32
    %dma_wait3A_126 = tpu.memref_slice %arg3[%add3A_122, %dma_wait3A_125] : memref<16384x256xf32, #tpu.memory_space<hbm>> -> memref<32x256xf32, #tpu.memory_space<hbm>>
    tpu.wait_dma2 semaphore(%arg33 : memref<!tpu.dma_semaphore, #tpu.memory_space<semaphore_mem>>) src(%arg5 : memref<32x256xf32, #tpu.memory_space<vmem>>) dst(%dma_wait3A_126 : memref<32x256xf32, #tpu.memory_space<hbm>>)
    %add3A_127 = arith.constant 480 : i32
    %add3A_128 = arith.addi %mul3A_2, %add3A_127 : i32
    %dma_start3A_129 = arith.constant 0 : i32
    %dma_start3A_130 = tpu.memref_slice %arg2[%add3A_128, %dma_start3A_129] : memref<16384x256xf32, #tpu.memory_space<hbm>> -> memref<32x256xf32, #tpu.memory_space<hbm>>
    %dma_start3A_131 = arith.constant 0 : i32
    %dma_start3A_132 = tpu.memref_slice %arg2[%add3A_128, %dma_start3A_131] : memref<16384x256xf32, #tpu.memory_space<hbm>> -> memref<32x256xf32, #tpu.memory_space<hbm>>
    tpu.enqueue_dma source(%dma_start3A_132 : memref<32x256xf32, #tpu.memory_space<hbm>>) target(%arg5 : memref<32x256xf32, #tpu.memory_space<vmem>>) target_semaphore(%arg19 : memref<!tpu.dma_semaphore, #tpu.memory_space<semaphore_mem>>)
    %add3A_133 = arith.constant 64 : i32
    %add3A_134 = arith.addi %mul3A_2, %add3A_133 : i32
    %dma_wait3A_135 = arith.constant 0 : i32
    %dma_wait3A_136 = tpu.memref_slice %arg2[%add3A_134, %dma_wait3A_135] : memref<16384x256xf32, #tpu.memory_space<hbm>> -> memref<32x256xf32, #tpu.memory_space<hbm>>
    %dma_wait3A_137 = arith.constant 0 : i32
    %dma_wait3A_138 = tpu.memref_slice %arg2[%add3A_134, %dma_wait3A_137] : memref<16384x256xf32, #tpu.memory_space<hbm>> -> memref<32x256xf32, #tpu.memory_space<hbm>>
    tpu.wait_dma2 semaphore(%arg20 : memref<!tpu.dma_semaphore, #tpu.memory_space<semaphore_mem>>) src(%dma_wait3A_138 : memref<32x256xf32, #tpu.memory_space<hbm>>) dst(%arg6 : memref<32x256xf32, #tpu.memory_space<vmem>>)
    %add3A_139 = arith.constant 64 : i32
    %add3A_140 = arith.addi %mul3A_2, %add3A_139 : i32
    %dma_start3A_141 = arith.constant 0 : i32
    %dma_start3A_142 = tpu.memref_slice %arg3[%add3A_140, %dma_start3A_141] : memref<16384x256xf32, #tpu.memory_space<hbm>> -> memref<32x256xf32, #tpu.memory_space<hbm>>
    %dma_start3A_143 = arith.constant 0 : i32
    %dma_start3A_144 = tpu.memref_slice %arg3[%add3A_140, %dma_start3A_143] : memref<16384x256xf32, #tpu.memory_space<hbm>> -> memref<32x256xf32, #tpu.memory_space<hbm>>
    tpu.enqueue_dma source(%arg6 : memref<32x256xf32, #tpu.memory_space<vmem>>) target(%dma_start3A_144 : memref<32x256xf32, #tpu.memory_space<hbm>>) target_semaphore(%arg34 : memref<!tpu.dma_semaphore, #tpu.memory_space<semaphore_mem>>)
    %add3A_145 = arith.constant 96 : i32
    %add3A_146 = arith.addi %mul3A_2, %add3A_145 : i32
    %dma_wait3A_147 = arith.constant 0 : i32
    %dma_wait3A_148 = tpu.memref_slice %arg2[%add3A_146, %dma_wait3A_147] : memref<16384x256xf32, #tpu.memory_space<hbm>> -> memref<32x256xf32, #tpu.memory_space<hbm>>
    %dma_wait3A_149 = arith.constant 0 : i32
    %dma_wait3A_150 = tpu.memref_slice %arg2[%add3A_146, %dma_wait3A_149] : memref<16384x256xf32, #tpu.memory_space<hbm>> -> memref<32x256xf32, #tpu.memory_space<hbm>>
    tpu.wait_dma2 semaphore(%arg21 : memref<!tpu.dma_semaphore, #tpu.memory_space<semaphore_mem>>) src(%dma_wait3A_150 : memref<32x256xf32, #tpu.memory_space<hbm>>) dst(%arg7 : memref<32x256xf32, #tpu.memory_space<vmem>>)
    %add3A_151 = arith.constant 96 : i32
    %add3A_152 = arith.addi %mul3A_2, %add3A_151 : i32
    %dma_start3A_153 = arith.constant 0 : i32
    %dma_start3A_154 = tpu.memref_slice %arg3[%add3A_152, %dma_start3A_153] : memref<16384x256xf32, #tpu.memory_space<hbm>> -> memref<32x256xf32, #tpu.memory_space<hbm>>
    %dma_start3A_155 = arith.constant 0 : i32
    %dma_start3A_156 = tpu.memref_slice %arg3[%add3A_152, %dma_start3A_155] : memref<16384x256xf32, #tpu.memory_space<hbm>> -> memref<32x256xf32, #tpu.memory_space<hbm>>
    tpu.enqueue_dma source(%arg7 : memref<32x256xf32, #tpu.memory_space<vmem>>) target(%dma_start3A_156 : memref<32x256xf32, #tpu.memory_space<hbm>>) target_semaphore(%arg35 : memref<!tpu.dma_semaphore, #tpu.memory_space<semaphore_mem>>)
    %add3A_157 = arith.constant 128 : i32
    %add3A_158 = arith.addi %mul3A_2, %add3A_157 : i32
    %dma_wait3A_159 = arith.constant 0 : i32
    %dma_wait3A_160 = tpu.memref_slice %arg2[%add3A_158, %dma_wait3A_159] : memref<16384x256xf32, #tpu.memory_space<hbm>> -> memref<32x256xf32, #tpu.memory_space<hbm>>
    %dma_wait3A_161 = arith.constant 0 : i32
    %dma_wait3A_162 = tpu.memref_slice %arg2[%add3A_158, %dma_wait3A_161] : memref<16384x256xf32, #tpu.memory_space<hbm>> -> memref<32x256xf32, #tpu.memory_space<hbm>>
    tpu.wait_dma2 semaphore(%arg22 : memref<!tpu.dma_semaphore, #tpu.memory_space<semaphore_mem>>) src(%dma_wait3A_162 : memref<32x256xf32, #tpu.memory_space<hbm>>) dst(%arg8 : memref<32x256xf32, #tpu.memory_space<vmem>>)
    %add3A_163 = arith.constant 128 : i32
    %add3A_164 = arith.addi %mul3A_2, %add3A_163 : i32
    %dma_start3A_165 = arith.constant 0 : i32
    %dma_start3A_166 = tpu.memref_slice %arg3[%add3A_164, %dma_start3A_165] : memref<16384x256xf32, #tpu.memory_space<hbm>> -> memref<32x256xf32, #tpu.memory_space<hbm>>
    %dma_start3A_167 = arith.constant 0 : i32
    %dma_start3A_168 = tpu.memref_slice %arg3[%add3A_164, %dma_start3A_167] : memref<16384x256xf32, #tpu.memory_space<hbm>> -> memref<32x256xf32, #tpu.memory_space<hbm>>
    tpu.enqueue_dma source(%arg8 : memref<32x256xf32, #tpu.memory_space<vmem>>) target(%dma_start3A_168 : memref<32x256xf32, #tpu.memory_space<hbm>>) target_semaphore(%arg36 : memref<!tpu.dma_semaphore, #tpu.memory_space<semaphore_mem>>)
    %add3A_169 = arith.constant 160 : i32
    %add3A_170 = arith.addi %mul3A_2, %add3A_169 : i32
    %dma_wait3A_171 = arith.constant 0 : i32
    %dma_wait3A_172 = tpu.memref_slice %arg2[%add3A_170, %dma_wait3A_171] : memref<16384x256xf32, #tpu.memory_space<hbm>> -> memref<32x256xf32, #tpu.memory_space<hbm>>
    %dma_wait3A_173 = arith.constant 0 : i32
    %dma_wait3A_174 = tpu.memref_slice %arg2[%add3A_170, %dma_wait3A_173] : memref<16384x256xf32, #tpu.memory_space<hbm>> -> memref<32x256xf32, #tpu.memory_space<hbm>>
    tpu.wait_dma2 semaphore(%arg23 : memref<!tpu.dma_semaphore, #tpu.memory_space<semaphore_mem>>) src(%dma_wait3A_174 : memref<32x256xf32, #tpu.memory_space<hbm>>) dst(%arg9 : memref<32x256xf32, #tpu.memory_space<vmem>>)
    %add3A_175 = arith.constant 160 : i32
    %add3A_176 = arith.addi %mul3A_2, %add3A_175 : i32
    %dma_start3A_177 = arith.constant 0 : i32
    %dma_start3A_178 = tpu.memref_slice %arg3[%add3A_176, %dma_start3A_177] : memref<16384x256xf32, #tpu.memory_space<hbm>> -> memref<32x256xf32, #tpu.memory_space<hbm>>
    %dma_start3A_179 = arith.constant 0 : i32
    %dma_start3A_180 = tpu.memref_slice %arg3[%add3A_176, %dma_start3A_179] : memref<16384x256xf32, #tpu.memory_space<hbm>> -> memref<32x256xf32, #tpu.memory_space<hbm>>
    tpu.enqueue_dma source(%arg9 : memref<32x256xf32, #tpu.memory_space<vmem>>) target(%dma_start3A_180 : memref<32x256xf32, #tpu.memory_space<hbm>>) target_semaphore(%arg37 : memref<!tpu.dma_semaphore, #tpu.memory_space<semaphore_mem>>)
    %add3A_181 = arith.constant 192 : i32
    %add3A_182 = arith.addi %mul3A_2, %add3A_181 : i32
    %dma_wait3A_183 = arith.constant 0 : i32
    %dma_wait3A_184 = tpu.memref_slice %arg2[%add3A_182, %dma_wait3A_183] : memref<16384x256xf32, #tpu.memory_space<hbm>> -> memref<32x256xf32, #tpu.memory_space<hbm>>
    %dma_wait3A_185 = arith.constant 0 : i32
    %dma_wait3A_186 = tpu.memref_slice %arg2[%add3A_182, %dma_wait3A_185] : memref<16384x256xf32, #tpu.memory_space<hbm>> -> memref<32x256xf32, #tpu.memory_space<hbm>>
    tpu.wait_dma2 semaphore(%arg24 : memref<!tpu.dma_semaphore, #tpu.memory_space<semaphore_mem>>) src(%dma_wait3A_186 : memref<32x256xf32, #tpu.memory_space<hbm>>) dst(%arg10 : memref<32x256xf32, #tpu.memory_space<vmem>>)
    %add3A_187 = arith.constant 192 : i32
    %add3A_188 = arith.addi %mul3A_2, %add3A_187 : i32
    %dma_start3A_189 = arith.constant 0 : i32
    %dma_start3A_190 = tpu.memref_slice %arg3[%add3A_188, %dma_start3A_189] : memref<16384x256xf32, #tpu.memory_space<hbm>> -> memref<32x256xf32, #tpu.memory_space<hbm>>
    %dma_start3A_191 = arith.constant 0 : i32
    %dma_start3A_192 = tpu.memref_slice %arg3[%add3A_188, %dma_start3A_191] : memref<16384x256xf32, #tpu.memory_space<hbm>> -> memref<32x256xf32, #tpu.memory_space<hbm>>
    tpu.enqueue_dma source(%arg10 : memref<32x256xf32, #tpu.memory_space<vmem>>) target(%dma_start3A_192 : memref<32x256xf32, #tpu.memory_space<hbm>>) target_semaphore(%arg38 : memref<!tpu.dma_semaphore, #tpu.memory_space<semaphore_mem>>)
    %add3A_193 = arith.constant 224 : i32
    %add3A_194 = arith.addi %mul3A_2, %add3A_193 : i32
    %dma_wait3A_195 = arith.constant 0 : i32
    %dma_wait3A_196 = tpu.memref_slice %arg2[%add3A_194, %dma_wait3A_195] : memref<16384x256xf32, #tpu.memory_space<hbm>> -> memref<32x256xf32, #tpu.memory_space<hbm>>
    %dma_wait3A_197 = arith.constant 0 : i32
    %dma_wait3A_198 = tpu.memref_slice %arg2[%add3A_194, %dma_wait3A_197] : memref<16384x256xf32, #tpu.memory_space<hbm>> -> memref<32x256xf32, #tpu.memory_space<hbm>>
    tpu.wait_dma2 semaphore(%arg25 : memref<!tpu.dma_semaphore, #tpu.memory_space<semaphore_mem>>) src(%dma_wait3A_198 : memref<32x256xf32, #tpu.memory_space<hbm>>) dst(%arg11 : memref<32x256xf32, #tpu.memory_space<vmem>>)
    %add3A_199 = arith.constant 224 : i32
    %add3A_200 = arith.addi %mul3A_2, %add3A_199 : i32
    %dma_start3A_201 = arith.constant 0 : i32
    %dma_start3A_202 = tpu.memref_slice %arg3[%add3A_200, %dma_start3A_201] : memref<16384x256xf32, #tpu.memory_space<hbm>> -> memref<32x256xf32, #tpu.memory_space<hbm>>
    %dma_start3A_203 = arith.constant 0 : i32
    %dma_start3A_204 = tpu.memref_slice %arg3[%add3A_200, %dma_start3A_203] : memref<16384x256xf32, #tpu.memory_space<hbm>> -> memref<32x256xf32, #tpu.memory_space<hbm>>
    tpu.enqueue_dma source(%arg11 : memref<32x256xf32, #tpu.memory_space<vmem>>) target(%dma_start3A_204 : memref<32x256xf32, #tpu.memory_space<hbm>>) target_semaphore(%arg39 : memref<!tpu.dma_semaphore, #tpu.memory_space<semaphore_mem>>)
    %add3A_205 = arith.constant 256 : i32
    %add3A_206 = arith.addi %mul3A_2, %add3A_205 : i32
    %dma_wait3A_207 = arith.constant 0 : i32
    %dma_wait3A_208 = tpu.memref_slice %arg2[%add3A_206, %dma_wait3A_207] : memref<16384x256xf32, #tpu.memory_space<hbm>> -> memref<32x256xf32, #tpu.memory_space<hbm>>
    %dma_wait3A_209 = arith.constant 0 : i32
    %dma_wait3A_210 = tpu.memref_slice %arg2[%add3A_206, %dma_wait3A_209] : memref<16384x256xf32, #tpu.memory_space<hbm>> -> memref<32x256xf32, #tpu.memory_space<hbm>>
    tpu.wait_dma2 semaphore(%arg26 : memref<!tpu.dma_semaphore, #tpu.memory_space<semaphore_mem>>) src(%dma_wait3A_210 : memref<32x256xf32, #tpu.memory_space<hbm>>) dst(%arg12 : memref<32x256xf32, #tpu.memory_space<vmem>>)
    %add3A_211 = arith.constant 256 : i32
    %add3A_212 = arith.addi %mul3A_2, %add3A_211 : i32
    %dma_start3A_213 = arith.constant 0 : i32
    %dma_start3A_214 = tpu.memref_slice %arg3[%add3A_212, %dma_start3A_213] : memref<16384x256xf32, #tpu.memory_space<hbm>> -> memref<32x256xf32, #tpu.memory_space<hbm>>
    %dma_start3A_215 = arith.constant 0 : i32
    %dma_start3A_216 = tpu.memref_slice %arg3[%add3A_212, %dma_start3A_215] : memref<16384x256xf32, #tpu.memory_space<hbm>> -> memref<32x256xf32, #tpu.memory_space<hbm>>
    tpu.enqueue_dma source(%arg12 : memref<32x256xf32, #tpu.memory_space<vmem>>) target(%dma_start3A_216 : memref<32x256xf32, #tpu.memory_space<hbm>>) target_semaphore(%arg40 : memref<!tpu.dma_semaphore, #tpu.memory_space<semaphore_mem>>)
    %add3A_217 = arith.constant 288 : i32
    %add3A_218 = arith.addi %mul3A_2, %add3A_217 : i32
    %dma_wait3A_219 = arith.constant 0 : i32
    %dma_wait3A_220 = tpu.memref_slice %arg2[%add3A_218, %dma_wait3A_219] : memref<16384x256xf32, #tpu.memory_space<hbm>> -> memref<32x256xf32, #tpu.memory_space<hbm>>
    %dma_wait3A_221 = arith.constant 0 : i32
    %dma_wait3A_222 = tpu.memref_slice %arg2[%add3A_218, %dma_wait3A_221] : memref<16384x256xf32, #tpu.memory_space<hbm>> -> memref<32x256xf32, #tpu.memory_space<hbm>>
    tpu.wait_dma2 semaphore(%arg27 : memref<!tpu.dma_semaphore, #tpu.memory_space<semaphore_mem>>) src(%dma_wait3A_222 : memref<32x256xf32, #tpu.memory_space<hbm>>) dst(%arg13 : memref<32x256xf32, #tpu.memory_space<vmem>>)
    %add3A_223 = arith.constant 288 : i32
    %add3A_224 = arith.addi %mul3A_2, %add3A_223 : i32
    %dma_start3A_225 = arith.constant 0 : i32
    %dma_start3A_226 = tpu.memref_slice %arg3[%add3A_224, %dma_start3A_225] : memref<16384x256xf32, #tpu.memory_space<hbm>> -> memref<32x256xf32, #tpu.memory_space<hbm>>
    %dma_start3A_227 = arith.constant 0 : i32
    %dma_start3A_228 = tpu.memref_slice %arg3[%add3A_224, %dma_start3A_227] : memref<16384x256xf32, #tpu.memory_space<hbm>> -> memref<32x256xf32, #tpu.memory_space<hbm>>
    tpu.enqueue_dma source(%arg13 : memref<32x256xf32, #tpu.memory_space<vmem>>) target(%dma_start3A_228 : memref<32x256xf32, #tpu.memory_space<hbm>>) target_semaphore(%arg41 : memref<!tpu.dma_semaphore, #tpu.memory_space<semaphore_mem>>)
    %add3A_229 = arith.constant 320 : i32
    %add3A_230 = arith.addi %mul3A_2, %add3A_229 : i32
    %dma_wait3A_231 = arith.constant 0 : i32
    %dma_wait3A_232 = tpu.memref_slice %arg2[%add3A_230, %dma_wait3A_231] : memref<16384x256xf32, #tpu.memory_space<hbm>> -> memref<32x256xf32, #tpu.memory_space<hbm>>
    %dma_wait3A_233 = arith.constant 0 : i32
    %dma_wait3A_234 = tpu.memref_slice %arg2[%add3A_230, %dma_wait3A_233] : memref<16384x256xf32, #tpu.memory_space<hbm>> -> memref<32x256xf32, #tpu.memory_space<hbm>>
    tpu.wait_dma2 semaphore(%arg28 : memref<!tpu.dma_semaphore, #tpu.memory_space<semaphore_mem>>) src(%dma_wait3A_234 : memref<32x256xf32, #tpu.memory_space<hbm>>) dst(%arg14 : memref<32x256xf32, #tpu.memory_space<vmem>>)
    %add3A_235 = arith.constant 320 : i32
    %add3A_236 = arith.addi %mul3A_2, %add3A_235 : i32
    %dma_start3A_237 = arith.constant 0 : i32
    %dma_start3A_238 = tpu.memref_slice %arg3[%add3A_236, %dma_start3A_237] : memref<16384x256xf32, #tpu.memory_space<hbm>> -> memref<32x256xf32, #tpu.memory_space<hbm>>
    %dma_start3A_239 = arith.constant 0 : i32
    %dma_start3A_240 = tpu.memref_slice %arg3[%add3A_236, %dma_start3A_239] : memref<16384x256xf32, #tpu.memory_space<hbm>> -> memref<32x256xf32, #tpu.memory_space<hbm>>
    tpu.enqueue_dma source(%arg14 : memref<32x256xf32, #tpu.memory_space<vmem>>) target(%dma_start3A_240 : memref<32x256xf32, #tpu.memory_space<hbm>>) target_semaphore(%arg42 : memref<!tpu.dma_semaphore, #tpu.memory_space<semaphore_mem>>)
    %add3A_241 = arith.constant 352 : i32
    %add3A_242 = arith.addi %mul3A_2, %add3A_241 : i32
    %dma_wait3A_243 = arith.constant 0 : i32
    %dma_wait3A_244 = tpu.memref_slice %arg2[%add3A_242, %dma_wait3A_243] : memref<16384x256xf32, #tpu.memory_space<hbm>> -> memref<32x256xf32, #tpu.memory_space<hbm>>
    %dma_wait3A_245 = arith.constant 0 : i32
    %dma_wait3A_246 = tpu.memref_slice %arg2[%add3A_242, %dma_wait3A_245] : memref<16384x256xf32, #tpu.memory_space<hbm>> -> memref<32x256xf32, #tpu.memory_space<hbm>>
    tpu.wait_dma2 semaphore(%arg29 : memref<!tpu.dma_semaphore, #tpu.memory_space<semaphore_mem>>) src(%dma_wait3A_246 : memref<32x256xf32, #tpu.memory_space<hbm>>) dst(%arg15 : memref<32x256xf32, #tpu.memory_space<vmem>>)
    %add3A_247 = arith.constant 352 : i32
    %add3A_248 = arith.addi %mul3A_2, %add3A_247 : i32
    %dma_start3A_249 = arith.constant 0 : i32
    %dma_start3A_250 = tpu.memref_slice %arg3[%add3A_248, %dma_start3A_249] : memref<16384x256xf32, #tpu.memory_space<hbm>> -> memref<32x256xf32, #tpu.memory_space<hbm>>
    %dma_start3A_251 = arith.constant 0 : i32
    %dma_start3A_252 = tpu.memref_slice %arg3[%add3A_248, %dma_start3A_251] : memref<16384x256xf32, #tpu.memory_space<hbm>> -> memref<32x256xf32, #tpu.memory_space<hbm>>
    tpu.enqueue_dma source(%arg15 : memref<32x256xf32, #tpu.memory_space<vmem>>) target(%dma_start3A_252 : memref<32x256xf32, #tpu.memory_space<hbm>>) target_semaphore(%arg43 : memref<!tpu.dma_semaphore, #tpu.memory_space<semaphore_mem>>)
    %add3A_253 = arith.constant 384 : i32
    %add3A_254 = arith.addi %mul3A_2, %add3A_253 : i32
    %dma_wait3A_255 = arith.constant 0 : i32
    %dma_wait3A_256 = tpu.memref_slice %arg2[%add3A_254, %dma_wait3A_255] : memref<16384x256xf32, #tpu.memory_space<hbm>> -> memref<32x256xf32, #tpu.memory_space<hbm>>
    %dma_wait3A_257 = arith.constant 0 : i32
    %dma_wait3A_258 = tpu.memref_slice %arg2[%add3A_254, %dma_wait3A_257] : memref<16384x256xf32, #tpu.memory_space<hbm>> -> memref<32x256xf32, #tpu.memory_space<hbm>>
    tpu.wait_dma2 semaphore(%arg30 : memref<!tpu.dma_semaphore, #tpu.memory_space<semaphore_mem>>) src(%dma_wait3A_258 : memref<32x256xf32, #tpu.memory_space<hbm>>) dst(%arg16 : memref<32x256xf32, #tpu.memory_space<vmem>>)
    %add3A_259 = arith.constant 384 : i32
    %add3A_260 = arith.addi %mul3A_2, %add3A_259 : i32
    %dma_start3A_261 = arith.constant 0 : i32
    %dma_start3A_262 = tpu.memref_slice %arg3[%add3A_260, %dma_start3A_261] : memref<16384x256xf32, #tpu.memory_space<hbm>> -> memref<32x256xf32, #tpu.memory_space<hbm>>
    %dma_start3A_263 = arith.constant 0 : i32
    %dma_start3A_264 = tpu.memref_slice %arg3[%add3A_260, %dma_start3A_263] : memref<16384x256xf32, #tpu.memory_space<hbm>> -> memref<32x256xf32, #tpu.memory_space<hbm>>
    tpu.enqueue_dma source(%arg16 : memref<32x256xf32, #tpu.memory_space<vmem>>) target(%dma_start3A_264 : memref<32x256xf32, #tpu.memory_space<hbm>>) target_semaphore(%arg44 : memref<!tpu.dma_semaphore, #tpu.memory_space<semaphore_mem>>)
    %add3A_265 = arith.constant 416 : i32
    %add3A_266 = arith.addi %mul3A_2, %add3A_265 : i32
    %dma_wait3A_267 = arith.constant 0 : i32
    %dma_wait3A_268 = tpu.memref_slice %arg2[%add3A_266, %dma_wait3A_267] : memref<16384x256xf32, #tpu.memory_space<hbm>> -> memref<32x256xf32, #tpu.memory_space<hbm>>
    %dma_wait3A_269 = arith.constant 0 : i32
    %dma_wait3A_270 = tpu.memref_slice %arg2[%add3A_266, %dma_wait3A_269] : memref<16384x256xf32, #tpu.memory_space<hbm>> -> memref<32x256xf32, #tpu.memory_space<hbm>>
    tpu.wait_dma2 semaphore(%arg31 : memref<!tpu.dma_semaphore, #tpu.memory_space<semaphore_mem>>) src(%dma_wait3A_270 : memref<32x256xf32, #tpu.memory_space<hbm>>) dst(%arg17 : memref<32x256xf32, #tpu.memory_space<vmem>>)
    %add3A_271 = arith.constant 416 : i32
    %add3A_272 = arith.addi %mul3A_2, %add3A_271 : i32
    %dma_start3A_273 = arith.constant 0 : i32
    %dma_start3A_274 = tpu.memref_slice %arg3[%add3A_272, %dma_start3A_273] : memref<16384x256xf32, #tpu.memory_space<hbm>> -> memref<32x256xf32, #tpu.memory_space<hbm>>
    %dma_start3A_275 = arith.constant 0 : i32
    %dma_start3A_276 = tpu.memref_slice %arg3[%add3A_272, %dma_start3A_275] : memref<16384x256xf32, #tpu.memory_space<hbm>> -> memref<32x256xf32, #tpu.memory_space<hbm>>
    tpu.enqueue_dma source(%arg17 : memref<32x256xf32, #tpu.memory_space<vmem>>) target(%dma_start3A_276 : memref<32x256xf32, #tpu.memory_space<hbm>>) target_semaphore(%arg45 : memref<!tpu.dma_semaphore, #tpu.memory_space<semaphore_mem>>)
    %add3A_277 = arith.constant 448 : i32
    %add3A_278 = arith.addi %mul3A_2, %add3A_277 : i32
    %dma_wait3A_279 = arith.constant 0 : i32
    %dma_wait3A_280 = tpu.memref_slice %arg2[%add3A_278, %dma_wait3A_279] : memref<16384x256xf32, #tpu.memory_space<hbm>> -> memref<32x256xf32, #tpu.memory_space<hbm>>
    %dma_wait3A_281 = arith.constant 0 : i32
    %dma_wait3A_282 = tpu.memref_slice %arg2[%add3A_278, %dma_wait3A_281] : memref<16384x256xf32, #tpu.memory_space<hbm>> -> memref<32x256xf32, #tpu.memory_space<hbm>>
    tpu.wait_dma2 semaphore(%arg18 : memref<!tpu.dma_semaphore, #tpu.memory_space<semaphore_mem>>) src(%dma_wait3A_282 : memref<32x256xf32, #tpu.memory_space<hbm>>) dst(%arg4 : memref<32x256xf32, #tpu.memory_space<vmem>>)
    %add3A_283 = arith.constant 448 : i32
    %add3A_284 = arith.addi %mul3A_2, %add3A_283 : i32
    %dma_start3A_285 = arith.constant 0 : i32
    %dma_start3A_286 = tpu.memref_slice %arg3[%add3A_284, %dma_start3A_285] : memref<16384x256xf32, #tpu.memory_space<hbm>> -> memref<32x256xf32, #tpu.memory_space<hbm>>
    %dma_start3A_287 = arith.constant 0 : i32
    %dma_start3A_288 = tpu.memref_slice %arg3[%add3A_284, %dma_start3A_287] : memref<16384x256xf32, #tpu.memory_space<hbm>> -> memref<32x256xf32, #tpu.memory_space<hbm>>
    tpu.enqueue_dma source(%arg4 : memref<32x256xf32, #tpu.memory_space<vmem>>) target(%dma_start3A_288 : memref<32x256xf32, #tpu.memory_space<hbm>>) target_semaphore(%arg32 : memref<!tpu.dma_semaphore, #tpu.memory_space<semaphore_mem>>)
    %add3A_289 = arith.constant 480 : i32
    %add3A_290 = arith.addi %mul3A_2, %add3A_289 : i32
    %dma_wait3A_291 = arith.constant 0 : i32
    %dma_wait3A_292 = tpu.memref_slice %arg2[%add3A_290, %dma_wait3A_291] : memref<16384x256xf32, #tpu.memory_space<hbm>> -> memref<32x256xf32, #tpu.memory_space<hbm>>
    %dma_wait3A_293 = arith.constant 0 : i32
    %dma_wait3A_294 = tpu.memref_slice %arg2[%add3A_290, %dma_wait3A_293] : memref<16384x256xf32, #tpu.memory_space<hbm>> -> memref<32x256xf32, #tpu.memory_space<hbm>>
    tpu.wait_dma2 semaphore(%arg19 : memref<!tpu.dma_semaphore, #tpu.memory_space<semaphore_mem>>) src(%dma_wait3A_294 : memref<32x256xf32, #tpu.memory_space<hbm>>) dst(%arg5 : memref<32x256xf32, #tpu.memory_space<vmem>>)
    %add3A_295 = arith.constant 480 : i32
    %add3A_296 = arith.addi %mul3A_2, %add3A_295 : i32
    %dma_start3A_297 = arith.constant 0 : i32
    %dma_start3A_298 = tpu.memref_slice %arg3[%add3A_296, %dma_start3A_297] : memref<16384x256xf32, #tpu.memory_space<hbm>> -> memref<32x256xf32, #tpu.memory_space<hbm>>
    %dma_start3A_299 = arith.constant 0 : i32
    %dma_start3A_300 = tpu.memref_slice %arg3[%add3A_296, %dma_start3A_299] : memref<16384x256xf32, #tpu.memory_space<hbm>> -> memref<32x256xf32, #tpu.memory_space<hbm>>
    tpu.enqueue_dma source(%arg5 : memref<32x256xf32, #tpu.memory_space<vmem>>) target(%dma_start3A_300 : memref<32x256xf32, #tpu.memory_space<hbm>>) target_semaphore(%arg33 : memref<!tpu.dma_semaphore, #tpu.memory_space<semaphore_mem>>)
    %add3A_301 = arith.constant 64 : i32
    %add3A_302 = arith.addi %mul3A_2, %add3A_301 : i32
    %dma_wait3A_303 = arith.constant 0 : i32
    %dma_wait3A_304 = tpu.memref_slice %arg3[%add3A_302, %dma_wait3A_303] : memref<16384x256xf32, #tpu.memory_space<hbm>> -> memref<32x256xf32, #tpu.memory_space<hbm>>
    %dma_wait3A_305 = arith.constant 0 : i32
    %dma_wait3A_306 = tpu.memref_slice %arg3[%add3A_302, %dma_wait3A_305] : memref<16384x256xf32, #tpu.memory_space<hbm>> -> memref<32x256xf32, #tpu.memory_space<hbm>>
    tpu.wait_dma2 semaphore(%arg34 : memref<!tpu.dma_semaphore, #tpu.memory_space<semaphore_mem>>) src(%arg6 : memref<32x256xf32, #tpu.memory_space<vmem>>) dst(%dma_wait3A_306 : memref<32x256xf32, #tpu.memory_space<hbm>>)
    %add3A_307 = arith.constant 96 : i32
    %add3A_308 = arith.addi %mul3A_2, %add3A_307 : i32
    %dma_wait3A_309 = arith.constant 0 : i32
    %dma_wait3A_310 = tpu.memref_slice %arg3[%add3A_308, %dma_wait3A_309] : memref<16384x256xf32, #tpu.memory_space<hbm>> -> memref<32x256xf32, #tpu.memory_space<hbm>>
    %dma_wait3A_311 = arith.constant 0 : i32
    %dma_wait3A_312 = tpu.memref_slice %arg3[%add3A_308, %dma_wait3A_311] : memref<16384x256xf32, #tpu.memory_space<hbm>> -> memref<32x256xf32, #tpu.memory_space<hbm>>
    tpu.wait_dma2 semaphore(%arg35 : memref<!tpu.dma_semaphore, #tpu.memory_space<semaphore_mem>>) src(%arg7 : memref<32x256xf32, #tpu.memory_space<vmem>>) dst(%dma_wait3A_312 : memref<32x256xf32, #tpu.memory_space<hbm>>)
    %add3A_313 = arith.constant 128 : i32
    %add3A_314 = arith.addi %mul3A_2, %add3A_313 : i32
    %dma_wait3A_315 = arith.constant 0 : i32
    %dma_wait3A_316 = tpu.memref_slice %arg3[%add3A_314, %dma_wait3A_315] : memref<16384x256xf32, #tpu.memory_space<hbm>> -> memref<32x256xf32, #tpu.memory_space<hbm>>
    %dma_wait3A_317 = arith.constant 0 : i32
    %dma_wait3A_318 = tpu.memref_slice %arg3[%add3A_314, %dma_wait3A_317] : memref<16384x256xf32, #tpu.memory_space<hbm>> -> memref<32x256xf32, #tpu.memory_space<hbm>>
    tpu.wait_dma2 semaphore(%arg36 : memref<!tpu.dma_semaphore, #tpu.memory_space<semaphore_mem>>) src(%arg8 : memref<32x256xf32, #tpu.memory_space<vmem>>) dst(%dma_wait3A_318 : memref<32x256xf32, #tpu.memory_space<hbm>>)
    %add3A_319 = arith.constant 160 : i32
    %add3A_320 = arith.addi %mul3A_2, %add3A_319 : i32
    %dma_wait3A_321 = arith.constant 0 : i32
    %dma_wait3A_322 = tpu.memref_slice %arg3[%add3A_320, %dma_wait3A_321] : memref<16384x256xf32, #tpu.memory_space<hbm>> -> memref<32x256xf32, #tpu.memory_space<hbm>>
    %dma_wait3A_323 = arith.constant 0 : i32
    %dma_wait3A_324 = tpu.memref_slice %arg3[%add3A_320, %dma_wait3A_323] : memref<16384x256xf32, #tpu.memory_space<hbm>> -> memref<32x256xf32, #tpu.memory_space<hbm>>
    tpu.wait_dma2 semaphore(%arg37 : memref<!tpu.dma_semaphore, #tpu.memory_space<semaphore_mem>>) src(%arg9 : memref<32x256xf32, #tpu.memory_space<vmem>>) dst(%dma_wait3A_324 : memref<32x256xf32, #tpu.memory_space<hbm>>)
    %add3A_325 = arith.constant 192 : i32
    %add3A_326 = arith.addi %mul3A_2, %add3A_325 : i32
    %dma_wait3A_327 = arith.constant 0 : i32
    %dma_wait3A_328 = tpu.memref_slice %arg3[%add3A_326, %dma_wait3A_327] : memref<16384x256xf32, #tpu.memory_space<hbm>> -> memref<32x256xf32, #tpu.memory_space<hbm>>
    %dma_wait3A_329 = arith.constant 0 : i32
    %dma_wait3A_330 = tpu.memref_slice %arg3[%add3A_326, %dma_wait3A_329] : memref<16384x256xf32, #tpu.memory_space<hbm>> -> memref<32x256xf32, #tpu.memory_space<hbm>>
    tpu.wait_dma2 semaphore(%arg38 : memref<!tpu.dma_semaphore, #tpu.memory_space<semaphore_mem>>) src(%arg10 : memref<32x256xf32, #tpu.memory_space<vmem>>) dst(%dma_wait3A_330 : memref<32x256xf32, #tpu.memory_space<hbm>>)
    %add3A_331 = arith.constant 224 : i32
    %add3A_332 = arith.addi %mul3A_2, %add3A_331 : i32
    %dma_wait3A_333 = arith.constant 0 : i32
    %dma_wait3A_334 = tpu.memref_slice %arg3[%add3A_332, %dma_wait3A_333] : memref<16384x256xf32, #tpu.memory_space<hbm>> -> memref<32x256xf32, #tpu.memory_space<hbm>>
    %dma_wait3A_335 = arith.constant 0 : i32
    %dma_wait3A_336 = tpu.memref_slice %arg3[%add3A_332, %dma_wait3A_335] : memref<16384x256xf32, #tpu.memory_space<hbm>> -> memref<32x256xf32, #tpu.memory_space<hbm>>
    tpu.wait_dma2 semaphore(%arg39 : memref<!tpu.dma_semaphore, #tpu.memory_space<semaphore_mem>>) src(%arg11 : memref<32x256xf32, #tpu.memory_space<vmem>>) dst(%dma_wait3A_336 : memref<32x256xf32, #tpu.memory_space<hbm>>)
    %add3A_337 = arith.constant 256 : i32
    %add3A_338 = arith.addi %mul3A_2, %add3A_337 : i32
    %dma_wait3A_339 = arith.constant 0 : i32
    %dma_wait3A_340 = tpu.memref_slice %arg3[%add3A_338, %dma_wait3A_339] : memref<16384x256xf32, #tpu.memory_space<hbm>> -> memref<32x256xf32, #tpu.memory_space<hbm>>
    %dma_wait3A_341 = arith.constant 0 : i32
    %dma_wait3A_342 = tpu.memref_slice %arg3[%add3A_338, %dma_wait3A_341] : memref<16384x256xf32, #tpu.memory_space<hbm>> -> memref<32x256xf32, #tpu.memory_space<hbm>>
    tpu.wait_dma2 semaphore(%arg40 : memref<!tpu.dma_semaphore, #tpu.memory_space<semaphore_mem>>) src(%arg12 : memref<32x256xf32, #tpu.memory_space<vmem>>) dst(%dma_wait3A_342 : memref<32x256xf32, #tpu.memory_space<hbm>>)
    %add3A_343 = arith.constant 288 : i32
    %add3A_344 = arith.addi %mul3A_2, %add3A_343 : i32
    %dma_wait3A_345 = arith.constant 0 : i32
    %dma_wait3A_346 = tpu.memref_slice %arg3[%add3A_344, %dma_wait3A_345] : memref<16384x256xf32, #tpu.memory_space<hbm>> -> memref<32x256xf32, #tpu.memory_space<hbm>>
    %dma_wait3A_347 = arith.constant 0 : i32
    %dma_wait3A_348 = tpu.memref_slice %arg3[%add3A_344, %dma_wait3A_347] : memref<16384x256xf32, #tpu.memory_space<hbm>> -> memref<32x256xf32, #tpu.memory_space<hbm>>
    tpu.wait_dma2 semaphore(%arg41 : memref<!tpu.dma_semaphore, #tpu.memory_space<semaphore_mem>>) src(%arg13 : memref<32x256xf32, #tpu.memory_space<vmem>>) dst(%dma_wait3A_348 : memref<32x256xf32, #tpu.memory_space<hbm>>)
    %add3A_349 = arith.constant 320 : i32
    %add3A_350 = arith.addi %mul3A_2, %add3A_349 : i32
    %dma_wait3A_351 = arith.constant 0 : i32
    %dma_wait3A_352 = tpu.memref_slice %arg3[%add3A_350, %dma_wait3A_351] : memref<16384x256xf32, #tpu.memory_space<hbm>> -> memref<32x256xf32, #tpu.memory_space<hbm>>
    %dma_wait3A_353 = arith.constant 0 : i32
    %dma_wait3A_354 = tpu.memref_slice %arg3[%add3A_350, %dma_wait3A_353] : memref<16384x256xf32, #tpu.memory_space<hbm>> -> memref<32x256xf32, #tpu.memory_space<hbm>>
    tpu.wait_dma2 semaphore(%arg42 : memref<!tpu.dma_semaphore, #tpu.memory_space<semaphore_mem>>) src(%arg14 : memref<32x256xf32, #tpu.memory_space<vmem>>) dst(%dma_wait3A_354 : memref<32x256xf32, #tpu.memory_space<hbm>>)
    %add3A_355 = arith.constant 352 : i32
    %add3A_356 = arith.addi %mul3A_2, %add3A_355 : i32
    %dma_wait3A_357 = arith.constant 0 : i32
    %dma_wait3A_358 = tpu.memref_slice %arg3[%add3A_356, %dma_wait3A_357] : memref<16384x256xf32, #tpu.memory_space<hbm>> -> memref<32x256xf32, #tpu.memory_space<hbm>>
    %dma_wait3A_359 = arith.constant 0 : i32
    %dma_wait3A_360 = tpu.memref_slice %arg3[%add3A_356, %dma_wait3A_359] : memref<16384x256xf32, #tpu.memory_space<hbm>> -> memref<32x256xf32, #tpu.memory_space<hbm>>
    tpu.wait_dma2 semaphore(%arg43 : memref<!tpu.dma_semaphore, #tpu.memory_space<semaphore_mem>>) src(%arg15 : memref<32x256xf32, #tpu.memory_space<vmem>>) dst(%dma_wait3A_360 : memref<32x256xf32, #tpu.memory_space<hbm>>)
    %add3A_361 = arith.constant 384 : i32
    %add3A_362 = arith.addi %mul3A_2, %add3A_361 : i32
    %dma_wait3A_363 = arith.constant 0 : i32
    %dma_wait3A_364 = tpu.memref_slice %arg3[%add3A_362, %dma_wait3A_363] : memref<16384x256xf32, #tpu.memory_space<hbm>> -> memref<32x256xf32, #tpu.memory_space<hbm>>
    %dma_wait3A_365 = arith.constant 0 : i32
    %dma_wait3A_366 = tpu.memref_slice %arg3[%add3A_362, %dma_wait3A_365] : memref<16384x256xf32, #tpu.memory_space<hbm>> -> memref<32x256xf32, #tpu.memory_space<hbm>>
    tpu.wait_dma2 semaphore(%arg44 : memref<!tpu.dma_semaphore, #tpu.memory_space<semaphore_mem>>) src(%arg16 : memref<32x256xf32, #tpu.memory_space<vmem>>) dst(%dma_wait3A_366 : memref<32x256xf32, #tpu.memory_space<hbm>>)
    %add3A_367 = arith.constant 416 : i32
    %add3A_368 = arith.addi %mul3A_2, %add3A_367 : i32
    %dma_wait3A_369 = arith.constant 0 : i32
    %dma_wait3A_370 = tpu.memref_slice %arg3[%add3A_368, %dma_wait3A_369] : memref<16384x256xf32, #tpu.memory_space<hbm>> -> memref<32x256xf32, #tpu.memory_space<hbm>>
    %dma_wait3A_371 = arith.constant 0 : i32
    %dma_wait3A_372 = tpu.memref_slice %arg3[%add3A_368, %dma_wait3A_371] : memref<16384x256xf32, #tpu.memory_space<hbm>> -> memref<32x256xf32, #tpu.memory_space<hbm>>
    tpu.wait_dma2 semaphore(%arg45 : memref<!tpu.dma_semaphore, #tpu.memory_space<semaphore_mem>>) src(%arg17 : memref<32x256xf32, #tpu.memory_space<vmem>>) dst(%dma_wait3A_372 : memref<32x256xf32, #tpu.memory_space<hbm>>)
    %add3A_373 = arith.constant 448 : i32
    %add3A_374 = arith.addi %mul3A_2, %add3A_373 : i32
    %dma_wait3A_375 = arith.constant 0 : i32
    %dma_wait3A_376 = tpu.memref_slice %arg3[%add3A_374, %dma_wait3A_375] : memref<16384x256xf32, #tpu.memory_space<hbm>> -> memref<32x256xf32, #tpu.memory_space<hbm>>
    %dma_wait3A_377 = arith.constant 0 : i32
    %dma_wait3A_378 = tpu.memref_slice %arg3[%add3A_374, %dma_wait3A_377] : memref<16384x256xf32, #tpu.memory_space<hbm>> -> memref<32x256xf32, #tpu.memory_space<hbm>>
    tpu.wait_dma2 semaphore(%arg32 : memref<!tpu.dma_semaphore, #tpu.memory_space<semaphore_mem>>) src(%arg4 : memref<32x256xf32, #tpu.memory_space<vmem>>) dst(%dma_wait3A_378 : memref<32x256xf32, #tpu.memory_space<hbm>>)
    %add3A_379 = arith.constant 480 : i32
    %add3A_380 = arith.addi %mul3A_2, %add3A_379 : i32
    %dma_wait3A_381 = arith.constant 0 : i32
    %dma_wait3A_382 = tpu.memref_slice %arg3[%add3A_380, %dma_wait3A_381] : memref<16384x256xf32, #tpu.memory_space<hbm>> -> memref<32x256xf32, #tpu.memory_space<hbm>>
    %dma_wait3A_383 = arith.constant 0 : i32
    %dma_wait3A_384 = tpu.memref_slice %arg3[%add3A_380, %dma_wait3A_383] : memref<16384x256xf32, #tpu.memory_space<hbm>> -> memref<32x256xf32, #tpu.memory_space<hbm>>
    tpu.wait_dma2 semaphore(%arg33 : memref<!tpu.dma_semaphore, #tpu.memory_space<semaphore_mem>>) src(%arg5 : memref<32x256xf32, #tpu.memory_space<vmem>>) dst(%dma_wait3A_384 : memref<32x256xf32, #tpu.memory_space<hbm>>)
    return
  }
}

</mosaic_0001>

<sc_bundles>
// kernel: kernel.3.cloned.1.call-start
scs
__scs_entry_jumppad:
0x0: {  	(pc) =	sbr.rel $0x88, $3  }
0x1: {  	(tag) =	ssettag $0x0;
	lr =	simm.s32 $0x1  }
0x2: {  	[smem:$0x3FA0] =	sst lr;
	_ =	strace $0xD0000000  }
0x3: {  	_ = 	snop  }
0x4: {  	_ = 	snop  }
0x5: {  	_ = 	snop  }
0x6: {  	_ = 	snop  }
0x7: {  	_ = 	snop  }
__scs_overlays_trampoline_lowered:
0x8: {  	[smem:$0x3FAF] =	sst s0  }
0x9: {  	[smem:$0x3FB0] =	sst s1  }
0xa: {  	[smem:$0x3FB1] =	sst s2  }
0xb: {  	[smem:$0x3FB2] =	sst s3  }
0xc: {  	[smem:$0x3FB3] =	sst s4  }
0xd: {  	[smem:$0x3FB4] =	sst s5  }
0xe: {  	[smem:$0x3FB5] =	sst s6  }
0xf: {  	[smem:$0x3FB6] =	sst s7  }
0x10: {  	[smem:$0x3FB7] =	sst s8  }
0x11: {  	[smem:$0x3FB8] =	sst s9;
	s0 =	simm.s32 @!p0 $0x0  }
0x12: {  	s1 =	sld [smem:$0x3F9E];
	s0 =	simm.s32 @p0 $0x1  }
0x13: {  	[smem:$0x3FB9] =	sst s0;
	s0 =	simm.s32 @!p1 $0x0  }
0x14: {  	s2 =	sld [smem:$0x3F9D];
	s0 =	simm.s32 @p1 $0x1  }
0x15: {  	[smem:$0x3FBA] =	sst s0;
	s0 =	simm.s32 @!p2 $0x0  }
0x16: {  	s3 =	sld [smem:$0x3FDB];
	s0 =	simm.s32 @p2 $0x1  }
0x17: {  	s4 =	simm.s32 $0x1BF5;
	[smem:$0x3FBC] =	sst s0  }
0x18: {  	s0 =	sld [smem:$0x3F9F];
	_ =	swait.ge [sflag:s4], $0x0  }
0x19: {  	s7 =	sld [smem:$0x3FA0]  }
0x1a: {  	s8 =	sadd.s32 $0xFFFFE003, lr  }
0x1b: {  	s9 =	sadd.s32 $0xFFFFFEF7, lr;
	s5 =	simm.s32 $0xFFFFFFFF;
	p2 =	slt.u32 s8, $0xFFFFF086  }
0x1c: {  	p1 =	slt.u32 s9, $0xF7A;
	s5 =	simm.s32 @!p2 $0x0  }
0x1d: {  	s5 =	simm.s32 @p1 $0x1;
	p0 =	seq.s32 s7, s2  }
0x1e: {  	s7 =	smul.u32 @!p0 $0xF7A, s2;
	p2 =	seq.s32 @!p0 s5, $0x0  }
0x1f: {  	s9 =	smul.u32 $0xF7A, s1;
	s8 =	simm.s32 @!p0 $0x1BF5;
	p2 =	por !p2, p0  }
0x20: {  	[sflag:s8] =	ssyncset.s32 @!p0 $0xFFFFF086;
	s6 =	sadd.s32 @!p0 s3, s7;
	s7 =	simm.s32 @!p0 $0x108  }
0x21: {  	s3 =	sadd.s32 s3, s9;
	s6 =	sadd.s32 @!p0 $0x88, s6;
	s7 =	simm.s32 @p2 $0x1082  }
0x22: {  	[simem:s7], [sflag:s8] =	dma.local @!p0 [hbm:s6], $0xF7A  }
0x23: {  	s9 =	sor.u32 $0xD0000000, s2;
	s6 =	simm.s32 $0x108;
	_ =	swait.ge @!p0 [sflag:s8], $0x0  }
0x24: {  	s3 =	sadd.s32 $0x88, s3;
	s6 =	simm.s32 @!p1 $0x1082;
	[sflag:s4] =	ssyncset.s32 $0xFFFFF086  }
0x25: {  	[simem:s6], [sflag:s4] =	dma.local [hbm:s3], $0xF7A  }
0x26: {  	[smem:$0x3FA0] =	sst s1;
	(tag) =	ssettag s2;
	_ =	strace s9  }
0x27: {  	s1 =	sld [smem:$0x3FB0]  }
0x28: {  	s2 =	sld [smem:$0x3FB1]  }
0x29: {  	s4 =	sld [smem:$0x3FB3]  }
0x2a: {  	p0 =	seq.s32 s5, $0x0;
	s5 =	sld [smem:$0x3FB4]  }
0x2b: {  	s6 =	sld [smem:$0x3FB5]  }
0x2c: {  	s7 =	sld [smem:$0x3FB6]  }
0x2d: {  	s3 =	simm.s32 $0x108;
	s8 =	sld [smem:$0x3FB7]  }
0x2e: {  	s3 =	simm.s32 @!p0 $0x1082;
	s9 =	sld [smem:$0x3FB8]  }
0x2f: {  	lr =	sadd.s32 s0, s3;
	s0 =	sld [smem:$0x3FAF]  }
0x30: {  	s3 =	sld [smem:$0x3FB2]  }
0x31: {  	[smem:$0x3FBB] =	sst s10  }
0x32: {  	s10 =	sld [smem:$0x3FB9];
	_ =	sdelay $0x3  }
0x33: {  	p0 =	seq.s32 s10, $0x1;
	s10 =	sld [smem:$0x3FBB];
	_ =	sdelay $0x3  }
0x34: {  	[smem:$0x3FBB] =	sst s10  }
0x35: {  	s10 =	sld [smem:$0x3FBA];
	_ =	sdelay $0x3  }
0x36: {  	p1 =	seq.s32 s10, $0x1;
	s10 =	sld [smem:$0x3FBB];
	_ =	sdelay $0x3  }
0x37: {  	[smem:$0x3FBB] =	sst s10  }
0x38: {  	s10 =	sld [smem:$0x3FBC]  }
0x39: {  	_ = 	snop;
	(pc) =	sbr.ind lr, $3  }
0x3a: {  	_ = 	snop  }
0x3b: {  	_ = 	snop  }
0x3c: {  	p2 =	seq.s32 s10, $0x1;
	s10 =	sld [smem:$0x3FBB]  }
0x3d: {  	_ =	shalt  }
0x3e: {  	_ =	shalt  }
0x3f: {  	_ =	shalt  }
0x40: {  	_ =	shalt  }
0x41: {  	_ =	shalt  }
0x42: {  	_ =	shalt  }
0x43: {  	_ =	shalt  }
0x44: {  	_ =	shalt  }
0x45: {  	_ =	shalt  }
0x46: {  	_ =	shalt  }
0x47: {  	_ =	shalt  }
0x48: {  	_ =	shalt  }
0x49: {  	_ =	shalt  }
0x4a: {  	_ =	shalt  }
0x4b: {  	_ =	shalt  }
0x4c: {  	_ =	shalt  }
0x4d: {  	_ =	shalt  }
0x4e: {  	_ =	shalt  }
0x4f: {  	_ =	shalt  }
0x50: {  	_ =	shalt  }
0x51: {  	_ =	shalt  }
0x52: {  	_ =	shalt  }
0x53: {  	_ =	shalt  }
0x54: {  	_ =	shalt  }
0x55: {  	_ =	shalt  }
0x56: {  	_ =	shalt  }
0x57: {  	_ =	shalt  }
0x58: {  	_ =	shalt  }
0x59: {  	_ =	shalt  }
0x5a: {  	_ =	shalt  }
0x5b: {  	_ =	shalt  }
0x5c: {  	_ =	shalt  }
0x5d: {  	_ =	shalt  }
0x5e: {  	_ =	shalt  }
0x5f: {  	_ =	shalt  }
0x60: {  	_ =	shalt  }
0x61: {  	_ =	shalt  }
0x62: {  	_ =	shalt  }
0x63: {  	_ =	shalt  }
0x64: {  	_ =	shalt  }
0x65: {  	_ =	shalt  }
0x66: {  	_ =	shalt  }
0x67: {  	_ =	shalt  }
0x68: {  	_ =	shalt  }
0x69: {  	_ =	shalt  }
0x6a: {  	_ =	shalt  }
0x6b: {  	_ =	shalt  }
0x6c: {  	_ =	shalt  }
0x6d: {  	_ =	shalt  }
0x6e: {  	_ =	shalt  }
0x6f: {  	_ =	shalt  }
0x70: {  	_ =	shalt  }
0x71: {  	_ =	shalt  }
0x72: {  	_ =	shalt  }
0x73: {  	_ =	shalt  }
0x74: {  	_ =	shalt  }
0x75: {  	_ =	shalt  }
0x76: {  	_ =	shalt  }
0x77: {  	_ =	shalt  }
0x78: {  	_ =	shalt  }
0x79: {  	_ =	shalt  }
0x7a: {  	_ =	shalt  }
0x7b: {  	_ =	shalt  }
0x7c: {  	_ =	shalt  }
0x7d: {  	_ =	shalt  }
0x7e: {  	_ =	shalt  }
0x7f: {  	_ =	shalt  }
0x80: {  	_ =	shalt  }
0x81: {  	_ =	shalt  }
0x82: {  	_ =	shalt  }
0x83: {  	_ =	shalt  }
0x84: {  	_ =	shalt  }
0x85: {  	_ =	shalt  }
0x86: {  	_ =	shalt  }
0x87: {  	_ =	shalt  }
.Lfunc_end0:
.L_simem_size_0:
called_computation_lowered:
.L_overlay_start_0:
0x88: {  	s2 =	sld [smem:$0x3FD9]  }
0x89: {  	s3 =	sld [smem:$0x3FFE];
	_ =	sdelay $0x1  }
0x8a: {  	s1 =	srdreg.scid  }
0x8b: {  	s0 =	sand.u32 $0x1, s1  }
0x8c: {  	s18 =	sshll.u32 s0, $0xA;
	s2 =	sadd.s32 s3, s2  }
0x8d: {  	s2 =	sadd.s32 s2, s18  }
0x8e: {  	[smem:$0x3FC7] =	sst s2  }
0x8f: {  	_ = 	snop  }
0x90: {  	s2 =	sld [smem:$0x3FC9]  }
0x91: {  	s19 =	sld [smem:$0x3FD0];
	(tm) =	ssettm $0x1  }
0x92: {  	s4 =	sld [smem:$0x3FFB];
	_ =	sdelay $0x3  }
0x93: {  	_ =	strace s4  }
0x94: {  	s4 =	sld [smem:$0x3FFC];
	_ =	sdelay $0x3  }
0x95: {  	_ =	strace s4  }
0x96: {  	s4 =	sld [smem:$0x3FFD];
	_ =	sdelay $0x3  }
0x97: {  	_ =	strace s4  }
0x98: {  	_ =	strace $0x8FFFFFFF  }
0x99: {  	s20 =	sld [smem:$0x3FDB];
	_ =	sdelay $0x1  }
0x9a: {  	s5 =	simm.s32 $_scs_section_size  }
0x9b: {  	s6 =	simm.s32 $_size__tile_overlayer_lowered;
	s7 =	simm.s32 $_tile_overlayer_lowered  }
0x9c: {  	s23 =	simm.s32 $0x1BFF;
	s22 =	sshll.u32 s7, $0x1;
	s4 =	sadd.s32 s5, s20  }
0x9d: {  	s8 =	simm.s32 $0x0;
	s21 =	sshll.u32 s6, $0x1;
	s6 =	sadd.s32 s22, s4  }
0x9e: {  	[timem:s8], [sflag:s23] =	dma.local [hbm:s6], s21  }
0x9f: {  	_ =	swait.ge [sflag:s23], s21  }
0xa0: {  	s5 =	ssub.s32 $0x0, s21;
	[sflag:s23] =	ssyncset.done $0x0  }
0xa1: {  	[sflag:s23] =	ssyncadd.s32 s5;
	_ =	sdelay $0x1  }
0xa2: {  	s24 =	simm.s32 $0x1B8B  }
0xa3: {  	_ =	swait.ge [sflag:s24], $0x1  }
0xa4: {  	[sflag:s24] =	ssyncset.done $0x0  }
0xa5: {  	s25 =	simm.s32 $0x1B8E;
	[sflag:s24] =	ssyncadd.s32 $0xFFFFFFFF  }
0xa6: {  	s26 =	simm.s32 $execute0_lowered;
	[smem:$0x3FD2] =	sst s25  }
0xa7: {  	s5 =	sshll.u32 s26, $0x1;
	_ =	strace $0x80000046;
	[dreg:$0x1] =	wrdreg $0xFFFFFFFF  }
0xa8: {  	s28 =	simm.s32 $_size_execute0_lowered;
	s4 =	sadd.s32 s4, s5;
	[dreg:$0x0] =	wrdreg $0x0  }
0xa9: {  	s5 =	sshll.u32 s28, $0x1;
	[dreg:$0x2] =	wrdreg s4  }
0xaa: {  	[dreg:$0x3] =	wrdreg s5  }
0xab: {  	[dreg:$0x4] =	wrdreg $0xC0  }
0xac: {  	_ =	task [dreg:s8], $0x5FFFF  }
0xad: {  	[dreg:$0x1] =	wrdreg $0xFFFFFFFF  }
0xae: {  	[dreg:$0x0] =	wrdreg $0x60  }
0xaf: {  	[dreg:$0x2] =	wrdreg s2  }
0xb0: {  	[dreg:$0x3] =	wrdreg s19  }
0xb1: {  	[dreg:$0x4] =	wrdreg $0x9  }
0xb2: {  	_ =	task.clear_ibuf [dreg:s8], $0x5FFFF;
	_ =	strace $0x90000046  }
0xb3: {  	s29 =	simm.s32 $0x9;
	_ =	strace $0x80000048  }
0xb4: {  	_ =	swait.ge [sflag:s29], $0x1  }
0xb5: {  	[sflag:s29] =	ssyncadd.s32 $0xFFFFFFFF  }
0xb6: {  	_ =	strace $0x90000048  }
0xb7: {  	_ =	sfence  }
0xb8: {  	s30 =	sld [smem:$0x0];
	_ =	sdelay $0x2  }
0xb9: {  	s31 =	sshll.u32 s1, $0xD;
	s1 =	sshrl.u32 s1, $0x2  }
0xba: {  	s3 =	sand.u32 $0x4000, s31;
	s1 =	sadd.s32 s1, s30  }
0xbb: {  	s0 =	sor.u32 s3, s0;
	s1 =	sshll.u32 s1, $0x11  }
0xbc: {  	s0 =	sor.u32 s1, s0  }
0xbd: {  	s0 =	sadd.s32 $0x8F2B, s0  }
0xbe: {  	[sflag:s0] =	ssyncadd.remote.s32 $0x1  }
0xbf: {  	_ =	sfence.sel $0xFFFF  }
0xc0: {  	[dreg:$0x0] =	wrdreg $0xFFFFFFFF;
	(pc) =	sbr.abs _section_cstart, $3  }
0xc1: {  	[dreg:$0x1] =	wrdreg $0xFFFFFFFF  }
0xc2: {  	_ =	task.clear_ibuf [dreg:s8], $0x2FFFF;
	_ =	strace $0x9FFFFFFF  }
0xc3: {  	(tm) =	ssettm $0x7FFFFFFF  }
tec
execute0_lowered:
.L_overlay_start_1:
0x0: {  	(tag) =	ssettag $0x1  }
0x1: {  	s3 =	rddreg [dreg:$0x0];
	s1 =	srdreg.scid  }
0x2: {  	s0 =	rddreg [dreg:$0x1];
	s4 =	stileid.u32;
	s1 =	sand.u32 $0x1, s1  }
0x3: {  	s2 =	simm.s32 $0x0;
	s4 =	sshll.u32 s4, $0xF;
	s5 =	sshll.u32 s1, $0xE  }
0x4: {  	[smem:$0x7FF] =	sst s2;
	s4 =	sor.u32 s5, s4  }
0x5: {  	s24 =	rddreg [dreg:$0x2];
	_ =	strace $0x80000047;
	s5 =	sadd.s32 s3, s4  }
0x6: {  	s6 =	sor.u32 $0x400, s4;
	s29 =	sadd.s32 s0, s4;
	[dreg:$0x3] =	wrdreg s5  }
0x7: {  	s7 =	sor.u32 $0x800, s4;
	s13 =	sadd.s32 s3, s6;
	[dreg:$0x11] =	wrdreg s29  }
0x8: {  	s8 =	sor.u32 $0xC00, s4;
	s14 =	sadd.s32 s3, s7;
	[dreg:$0x4] =	wrdreg s13  }
0x9: {  	s9 =	sor.u32 $0x1000, s4;
	s15 =	sadd.s32 s3, s8;
	[dreg:$0x5] =	wrdreg s14  }
0xa: {  	s10 =	sor.u32 $0x1400, s4;
	s16 =	sadd.s32 s3, s9;
	[dreg:$0x6] =	wrdreg s15  }
0xb: {  	s11 =	sor.u32 $0x1800, s4;
	s17 =	sadd.s32 s3, s10;
	[dreg:$0x7] =	wrdreg s16  }
0xc: {  	s12 =	sor.u32 $0x1C00, s4;
	s18 =	sadd.s32 s3, s11;
	[dreg:$0x8] =	wrdreg s17  }
0xd: {  	s30 =	simm.s32 $0x7;
	s19 =	sadd.s32 s3, s12;
	[dreg:$0x9] =	wrdreg s18  }
0xe: {  	p0 =	por $0x0, $0x0;
	s6 =	sadd.s32 s0, s6;
	[dreg:$0xa] =	wrdreg s19  }
0xf: {  	s28 =	simm.s32 $0x8;
	s7 =	sadd.s32 s0, s7;
	[dreg:$0x13] =	wrdreg s6  }
0x10: {  	s1 =	ssub.s32 $0x2, s1;
	s8 =	sadd.s32 s0, s8;
	[dreg:$0x15] =	wrdreg s7  }
0x11: {  	s9 =	sadd.s32 s0, s9;
	s10 =	sadd.s32 s0, s10;
	[dreg:$0x16] =	wrdreg s8  }
0x12: {  	s11 =	sadd.s32 s0, s11;
	s12 =	sadd.s32 s0, s12;
	[dreg:$0x17] =	wrdreg s9  }
0x13: {  	s29 =	sshrl.u32 s1, $0x1;
	s5 =	simm.s32 $0x2000;
	[dreg:$0x18] =	wrdreg s10  }
0x14: {  	s13 =	sor.u32 $0x2000, s4;
	s14 =	sor.u32 $0x2400, s4;
	[dreg:$0x19] =	wrdreg s11  }
0x15: {  	s15 =	sor.u32 $0x2800, s4;
	s16 =	sor.u32 $0x2C00, s4;
	[dreg:$0x1a] =	wrdreg s12  }
0x16: {  	s17 =	sor.u32 $0x3000, s4;
	s6 =	rddreg [dreg:$0x3];
	s20 =	sadd.s32 s3, s13  }
0x17: {  	s18 =	sor.u32 $0x3400, s4;
	s21 =	sadd.s32 s3, s14;
	[dreg:$0xb] =	wrdreg s20  }
0x18: {  	s19 =	sor.u32 $0x3800, s4;
	s22 =	sadd.s32 s3, s15;
	[dreg:$0xc] =	wrdreg s21  }
0x19: {  	s4 =	sor.u32 $0x3C00, s4;
	s23 =	sadd.s32 s3, s16;
	[dreg:$0xd] =	wrdreg s22  }
0x1a: {  	s1 =	ssub.s32 s1, s29;
	s25 =	sadd.s32 s3, s17;
	[dreg:$0xe] =	wrdreg s23  }
0x1b: {  	s11 =	simm.s32 $0x2;
	s26 =	sadd.s32 s3, s18;
	[dreg:$0xf] =	wrdreg s25  }
0x1c: {  	s10 =	simm.s32 $0x3;
	s31 =	sadd.s32 s3, s19;
	[dreg:$0x10] =	wrdreg s26  }
0x1d: {  	s3 =	sadd.s32 s3, s4;
	s1 =	smax.u32 s1, $0x1;
	[dreg:$0x12] =	wrdreg s31  }
0x1e: {  	[dreg:$0x14] =	wrdreg s3;
	s20 =	sadd.s32 s0, s13;
	s21 =	sadd.s32 s0, s14  }
0x1f: {  	s22 =	sadd.s32 s0, s15;
	s23 =	sadd.s32 s0, s16;
	[dreg:$0x1b] =	wrdreg s20  }
0x20: {  	s25 =	sadd.s32 s0, s17;
	s26 =	sadd.s32 s0, s18;
	[dreg:$0x1c] =	wrdreg s21  }
0x21: {  	s31 =	sadd.s32 s0, s19;
	s0 =	sadd.s32 s0, s4;
	[dreg:$0x1d] =	wrdreg s22  }
0x22: {  	s13 =	simm.s32 $0x1;
	p1 =	sne.s32 s1, $0x1;
	[dreg:$0x1e] =	wrdreg s23  }
.Ltmp0:
0x23: {  	s4 =	simm.s32 $0xF;
	[dreg:$0x1f] =	wrdreg s25;
	(pc) =	sbr.rel @!p1 .LBB2_5-.Ltmp0, $4  }
0x24: {  	s3 =	simm.s32 $0x10;
	s16 =	simm.s32 $0x5;
	[smem:$0x7FB] =	sst s26  }
0x25: {  	s7 =	sadd.s32 $0xFFFFFFFF, s1;
	s19 =	simm.s32 $0xB;
	[smem:$0x7FC] =	sst s31  }
0x26: {  	s1 =	simm.s32 $0xC;
	[smem:$0x7FD] =	sst s0;
	s22 =	simm.s32 $0x4  }
0x27: {  	s0 =	simm.s32 $0x6;
	s25 =	simm.s32 $0x9;
	s23 =	simm.s32 $0xA  }
0x28: {  	[tilespmem:s2], [sflag:$0x1] =	stream.linear.gather [hbm4b:s6+s2], $0x2000, $0x38;
	[tilespmem:$0x1C000] =	vst v63  }
0x29: {  	s24 =	rddreg [dreg:$0x4]  }
0x2a: {  	[tilespmem:s5], [sflag:$0x2] =	stream.linear.gather [hbm4b:s24+s2], $0x2000, $0x38;
	[tilespmem:$0x1C000] =	vst v63  }
0x2b: {  	s8 =	rddreg [dreg:$0x5];
	s31 =	simm.s32 $0x4000  }
0x2c: {  	[tilespmem:s31], [sflag:$0x3] =	stream.linear.gather [hbm4b:s8+s2], $0x2000, $0x38;
	[tilespmem:$0x1C000] =	vst v63  }
0x2d: {  	s9 =	rddreg [dreg:$0x6];
	s5 =	simm.s32 $0x6000  }
0x2e: {  	[tilespmem:s5], [sflag:$0x4] =	stream.linear.gather [hbm4b:s9+s2], $0x2000, $0x38;
	[tilespmem:$0x1C000] =	vst v63  }
0x2f: {  	s12 =	rddreg [dreg:$0x7];
	s21 =	simm.s32 $0x8000  }
0x30: {  	[tilespmem:s21], [sflag:$0x5] =	stream.linear.gather [hbm4b:s12+s2], $0x2000, $0x38;
	[tilespmem:$0x1C000] =	vst v63  }
0x31: {  	s14 =	rddreg [dreg:$0x8];
	s26 =	simm.s32 $0xA000  }
0x32: {  	[tilespmem:s26], [sflag:$0x6] =	stream.linear.gather [hbm4b:s14+s2], $0x2000, $0x38;
	[tilespmem:$0x1C000] =	vst v63  }
0x33: {  	s15 =	rddreg [dreg:$0x9];
	s20 =	simm.s32 $0xC000  }
0x34: {  	[tilespmem:s20], [sflag:$0x7] =	stream.linear.gather [hbm4b:s15+s2], $0x2000, $0x38;
	[tilespmem:$0x1C000] =	vst v63  }
0x35: {  	s17 =	rddreg [dreg:$0xa];
	s18 =	simm.s32 $0xE000  }
0x36: {  	[tilespmem:s18], [sflag:$0x8] =	stream.linear.gather [hbm4b:s17+s2], $0x2000, $0x38;
	[tilespmem:$0x1C000] =	vst v63  }
0x37: {  	s8 =	rddreg [dreg:$0xb];
	s9 =	simm.s32 $0x10000  }
0x38: {  	[tilespmem:s9], [sflag:$0x9] =	stream.linear.gather [hbm4b:s8+s2], $0x2000, $0x38;
	[tilespmem:$0x1C000] =	vst v63  }
0x39: {  	s12 =	rddreg [dreg:$0xc];
	s15 =	simm.s32 $0x12000  }
0x3a: {  	[tilespmem:s15], [sflag:$0xA] =	stream.linear.gather [hbm4b:s12+s2], $0x2000, $0x38;
	[tilespmem:$0x1C000] =	vst v63  }
0x3b: {  	s14 =	rddreg [dreg:$0xd];
	s8 =	simm.s32 $0x14000  }
0x3c: {  	[tilespmem:s8], [sflag:$0xB] =	stream.linear.gather [hbm4b:s14+s2], $0x2000, $0x38;
	[tilespmem:$0x1C000] =	vst v63  }
0x3d: {  	s17 =	rddreg [dreg:$0xe];
	s12 =	simm.s32 $0x16000  }
0x3e: {  	[tilespmem:s12], [sflag:$0xC] =	stream.linear.gather [hbm4b:s17+s2], $0x2000, $0x38;
	[tilespmem:$0x1C000] =	vst v63  }
0x3f: {  	s14 =	rddreg [dreg:$0xf];
	s17 =	simm.s32 $0x18000  }
0x40: {  	[tilespmem:s17], [sflag:$0xD] =	stream.linear.gather [hbm4b:s14+s2], $0x2000, $0x38;
	[tilespmem:$0x1C000] =	vst v63  }
0x41: {  	s24 =	rddreg [dreg:$0x10];
	s14 =	simm.s32 $0x1A000  }
0x42: {  	[tilespmem:s14], [sflag:$0xE] =	stream.linear.gather [hbm4b:s24+s2], $0x2000, $0x38;
	[tilespmem:$0x1C000] =	vst v63  }
0x43: {  	_ =	swait.ge [sflag:s13], $0x2000  }
0x44: {  	[sflag:s13] =	ssyncset.done $0x0  }
0x45: {  	s24 =	rddreg [dreg:$0x11];
	[sflag:s13] =	ssyncadd.s32 $0xFFFFE000  }
0x46: {  	[hbm4b:s24+s2] =	stream.linear.scatter [tilespmem:s2], [sflag:$0xF], $0x2000, $0x38;
	[tilespmem:$0x1C000] =	vst v63  }
0x47: {  	_ =	swait.ge [sflag:s4], $0x2000  }
0x48: {  	[sflag:s4] =	ssyncset.done $0x0  }
0x49: {  	s24 =	rddreg [dreg:$0x12];
	[sflag:s4] =	ssyncadd.s32 $0xFFFFE000  }
0x4a: {  	[tilespmem:s2], [sflag:$0x1] =	stream.linear.gather [hbm4b:s24+s2], $0x2000, $0x38;
	[tilespmem:$0x1C000] =	vst v63  }
0x4b: {  	_ =	swait.ge [sflag:s11], $0x2000  }
0x4c: {  	[sflag:s11] =	ssyncset.done $0x0  }
0x4d: {  	s29 =	simm.s32 $0x2000;
	s24 =	rddreg [dreg:$0x13];
	[sflag:s11] =	ssyncadd.s32 $0xFFFFE000  }
0x4e: {  	[hbm4b:s24+s2] =	stream.linear.scatter [tilespmem:s29], [sflag:$0x10], $0x2000, $0x38;
	[tilespmem:$0x1C000] =	vst v63  }
0x4f: {  	_ =	swait.ge [sflag:s3], $0x2000  }
0x50: {  	[sflag:s3] =	ssyncset.done $0x0  }
0x51: {  	s24 =	rddreg [dreg:$0x14];
	[sflag:s3] =	ssyncadd.s32 $0xFFFFE000  }
0x52: {  	[tilespmem:s29], [sflag:$0x2] =	stream.linear.gather [hbm4b:s24+s2], $0x2000, $0x38;
	[tilespmem:$0x1C000] =	vst v63  }
0x53: {  	_ =	swait.ge [sflag:s10], $0x2000  }
0x54: {  	[sflag:s10] =	ssyncset.done $0x0  }
0x55: {  	s24 =	rddreg [dreg:$0x15];
	[sflag:s10] =	ssyncadd.s32 $0xFFFFE000  }
0x56: {  	[hbm4b:s24+s2] =	stream.linear.scatter [tilespmem:s31], [sflag:$0x11], $0x2000, $0x38;
	[tilespmem:$0x1C000] =	vst v63  }
0x57: {  	_ =	swait.ge [sflag:s22], $0x2000  }
0x58: {  	[sflag:s22] =	ssyncset.done $0x0  }
0x59: {  	s29 =	rddreg [dreg:$0x16];
	[sflag:s22] =	ssyncadd.s32 $0xFFFFE000  }
0x5a: {  	[hbm4b:s29+s2] =	stream.linear.scatter [tilespmem:s5], [sflag:$0x12], $0x2000, $0x38;
	[tilespmem:$0x1C000] =	vst v63  }
0x5b: {  	_ =	swait.ge [sflag:s16], $0x2000  }
0x5c: {  	[sflag:s16] =	ssyncset.done $0x0  }
0x5d: {  	s31 =	rddreg [dreg:$0x17];
	[sflag:s16] =	ssyncadd.s32 $0xFFFFE000  }
0x5e: {  	[hbm4b:s31+s2] =	stream.linear.scatter [tilespmem:s21], [sflag:$0x13], $0x2000, $0x38;
	[tilespmem:$0x1C000] =	vst v63  }
0x5f: {  	_ =	swait.ge [sflag:s0], $0x2000  }
0x60: {  	[sflag:s0] =	ssyncset.done $0x0  }
0x61: {  	s24 =	rddreg [dreg:$0x18];
	[sflag:s0] =	ssyncadd.s32 $0xFFFFE000  }
0x62: {  	[hbm4b:s24+s2] =	stream.linear.scatter [tilespmem:s26], [sflag:$0x14], $0x2000, $0x38;
	[tilespmem:$0x1C000] =	vst v63  }
0x63: {  	_ =	swait.ge [sflag:s30], $0x2000  }
0x64: {  	[sflag:s30] =	ssyncset.done $0x0  }
0x65: {  	s26 =	rddreg [dreg:$0x19];
	[sflag:s30] =	ssyncadd.s32 $0xFFFFE000  }
0x66: {  	[hbm4b:s26+s2] =	stream.linear.scatter [tilespmem:s20], [sflag:$0x15], $0x2000, $0x38;
	[tilespmem:$0x1C000] =	vst v63  }
0x67: {  	_ =	swait.ge [sflag:s28], $0x2000  }
0x68: {  	[sflag:s28] =	ssyncset.done $0x0  }
0x69: {  	s29 =	rddreg [dreg:$0x1a];
	[sflag:s28] =	ssyncadd.s32 $0xFFFFE000  }
0x6a: {  	[hbm4b:s29+s2] =	stream.linear.scatter [tilespmem:s18], [sflag:$0x16], $0x2000, $0x38;
	[tilespmem:$0x1C000] =	vst v63  }
0x6b: {  	_ =	swait.ge [sflag:s25], $0x2000  }
0x6c: {  	[sflag:s25] =	ssyncset.done $0x0  }
0x6d: {  	s31 =	rddreg [dreg:$0x1b];
	[sflag:s25] =	ssyncadd.s32 $0xFFFFE000  }
0x6e: {  	[hbm4b:s31+s2] =	stream.linear.scatter [tilespmem:s9], [sflag:$0x17], $0x2000, $0x38;
	[tilespmem:$0x1C000] =	vst v63  }
0x6f: {  	_ =	swait.ge [sflag:s23], $0x2000  }
0x70: {  	[sflag:s23] =	ssyncset.done $0x0  }
0x71: {  	s9 =	rddreg [dreg:$0x1c];
	[sflag:s23] =	ssyncadd.s32 $0xFFFFE000  }
0x72: {  	[hbm4b:s9+s2] =	stream.linear.scatter [tilespmem:s15], [sflag:$0x18], $0x2000, $0x38;
	[tilespmem:$0x1C000] =	vst v63  }
0x73: {  	_ =	swait.ge [sflag:s19], $0x2000  }
0x74: {  	[sflag:s19] =	ssyncset.done $0x0  }
0x75: {  	s18 =	rddreg [dreg:$0x1d];
	[sflag:s19] =	ssyncadd.s32 $0xFFFFE000  }
0x76: {  	[hbm4b:s18+s2] =	stream.linear.scatter [tilespmem:s8], [sflag:$0x19], $0x2000, $0x38;
	[tilespmem:$0x1C000] =	vst v63  }
0x77: {  	_ =	swait.ge [sflag:s1], $0x2000  }
0x78: {  	[sflag:s1] =	ssyncset.done $0x0  }
0x79: {  	s21 =	simm.s32 $0xD;
	s20 =	rddreg [dreg:$0x1e];
	[sflag:s1] =	ssyncadd.s32 $0xFFFFE000  }
0x7a: {  	[hbm4b:s20+s2] =	stream.linear.scatter [tilespmem:s12], [sflag:$0x1A], $0x2000, $0x38;
	[tilespmem:$0x1C000] =	vst v63  }
0x7b: {  	_ =	swait.ge [sflag:s21], $0x2000  }
0x7c: {  	[sflag:s21] =	ssyncset.done $0x0  }
0x7d: {  	s26 =	simm.s32 $0xE;
	s24 =	rddreg [dreg:$0x1f];
	[sflag:s21] =	ssyncadd.s32 $0xFFFFE000  }
0x7e: {  	[hbm4b:s24+s2] =	stream.linear.scatter [tilespmem:s17], [sflag:$0x1B], $0x2000, $0x38;
	[tilespmem:$0x1C000] =	vst v63  }
0x7f: {  	_ =	swait.ge [sflag:s26], $0x2000  }
0x80: {  	s29 =	sld [smem:$0x7FB]  }
0x81: {  	[sflag:s26] =	ssyncset.done $0x0  }
0x82: {  	[sflag:s26] =	ssyncadd.s32 $0xFFFFE000  }
0x83: {  	[hbm4b:s29+s2] =	stream.linear.scatter [tilespmem:s14], [sflag:$0x1C], $0x2000, $0x38;
	[tilespmem:$0x1C000] =	vst v63  }
0x84: {  	_ =	swait.ge [sflag:s13], $0x2000  }
0x85: {  	s31 =	sld [smem:$0x7FC]  }
0x86: {  	[sflag:s13] =	ssyncset.done $0x0  }
0x87: {  	[sflag:s13] =	ssyncadd.s32 $0xFFFFE000  }
0x88: {  	[hbm4b:s31+s2] =	stream.linear.scatter [tilespmem:s2], [sflag:$0xF], $0x2000, $0x38;
	[tilespmem:$0x1C000] =	vst v63  }
0x89: {  	_ =	swait.ge [sflag:s11], $0x2000  }
0x8a: {  	s8 =	sld [smem:$0x7FD]  }
0x8b: {  	[sflag:s11] =	ssyncset.done $0x0  }
0x8c: {  	s5 =	simm.s32 $0x2000;
	s9 =	simm.s32 $0x11;
	[sflag:s11] =	ssyncadd.s32 $0xFFFFE000  }
0x8d: {  	[hbm4b:s8+s2] =	stream.linear.scatter [tilespmem:s5], [sflag:$0x10], $0x2000, $0x38;
	[tilespmem:$0x1C000] =	vst v63  }
0x8e: {  	_ =	swait.ge [sflag:s9], $0x2000  }
0x8f: {  	[sflag:s9] =	ssyncset.done $0x0  }
0x90: {  	s12 =	simm.s32 $0x12;
	[sflag:s9] =	ssyncadd.s32 $0xFFFFE000  }
0x91: {  	_ =	swait.ge [sflag:s12], $0x2000  }
0x92: {  	[sflag:s12] =	ssyncset.done $0x0  }
0x93: {  	s14 =	simm.s32 $0x13;
	[sflag:s12] =	ssyncadd.s32 $0xFFFFE000  }
0x94: {  	_ =	swait.ge [sflag:s14], $0x2000  }
0x95: {  	[sflag:s14] =	ssyncset.done $0x0  }
0x96: {  	s15 =	simm.s32 $0x14;
	[sflag:s14] =	ssyncadd.s32 $0xFFFFE000  }
0x97: {  	_ =	swait.ge [sflag:s15], $0x2000  }
0x98: {  	[sflag:s15] =	ssyncset.done $0x0  }
0x99: {  	s17 =	simm.s32 $0x15;
	[sflag:s15] =	ssyncadd.s32 $0xFFFFE000  }
0x9a: {  	_ =	swait.ge [sflag:s17], $0x2000  }
0x9b: {  	[sflag:s17] =	ssyncset.done $0x0  }
0x9c: {  	s18 =	simm.s32 $0x16;
	[sflag:s17] =	ssyncadd.s32 $0xFFFFE000  }
0x9d: {  	_ =	swait.ge [sflag:s18], $0x2000  }
0x9e: {  	[sflag:s18] =	ssyncset.done $0x0  }
0x9f: {  	s20 =	simm.s32 $0x17;
	[sflag:s18] =	ssyncadd.s32 $0xFFFFE000  }
0xa0: {  	_ =	swait.ge [sflag:s20], $0x2000  }
0xa1: {  	[sflag:s20] =	ssyncset.done $0x0  }
0xa2: {  	s21 =	simm.s32 $0x18;
	[sflag:s20] =	ssyncadd.s32 $0xFFFFE000  }
0xa3: {  	_ =	swait.ge [sflag:s21], $0x2000  }
0xa4: {  	[sflag:s21] =	ssyncset.done $0x0  }
0xa5: {  	s24 =	simm.s32 $0x19;
	[sflag:s21] =	ssyncadd.s32 $0xFFFFE000  }
0xa6: {  	_ =	swait.ge [sflag:s24], $0x2000  }
0xa7: {  	[sflag:s24] =	ssyncset.done $0x0  }
0xa8: {  	s26 =	simm.s32 $0x1A;
	[sflag:s24] =	ssyncadd.s32 $0xFFFFE000  }
0xa9: {  	_ =	swait.ge [sflag:s26], $0x2000  }
0xaa: {  	[sflag:s26] =	ssyncset.done $0x0  }
0xab: {  	s29 =	simm.s32 $0x1B;
	[sflag:s26] =	ssyncadd.s32 $0xFFFFE000  }
0xac: {  	_ =	swait.ge [sflag:s29], $0x2000  }
0xad: {  	[sflag:s29] =	ssyncset.done $0x0  }
0xae: {  	s31 =	simm.s32 $0x1C;
	[sflag:s29] =	ssyncadd.s32 $0xFFFFE000  }
0xaf: {  	_ =	swait.ge [sflag:s31], $0x2000  }
0xb0: {  	[sflag:s31] =	ssyncset.done $0x0  }
0xb1: {  	p1 =	sne.s32 s7, $0x1;
	[sflag:s31] =	ssyncadd.s32 $0xFFFFE000  }
.Ltmp1:
0xb2: {  	_ =	swait.ge [sflag:s4], $0x2000;
	(pc) =	sbr.rel @!p1 .LBB2_6-.Ltmp1, $4  }
0xb3: {  	[sflag:s4] =	ssyncset.done $0x0  }
0xb4: {  	[sflag:s4] =	ssyncadd.s32 $0xFFFFE000  }
0xb5: {  	p0 =	por $0x1, $0x1;
	_ =	swait.ge [sflag:s3], $0x2000  }
0xb6: {  	s24 =	sadd.s32 $0xFFFFFFFF, s7;
	s6 =	rddreg [dreg:$0x3];
	[sflag:s3] =	ssyncset.done $0x0  }
0xb7: {  	s31 =	simm.s32 $0x4000;
	s29 =	simm.s32 $0x2000  }
0xb8: {  	s21 =	simm.s32 $0x8000;
	s26 =	simm.s32 $0xA000;
	s20 =	simm.s32 $0xC000  }
0xb9: {  	s18 =	simm.s32 $0xE000;
	s9 =	simm.s32 $0x10000;
	s15 =	simm.s32 $0x12000  }
0xba: {  	s12 =	simm.s32 $0x16000;
	s17 =	simm.s32 $0x18000;
	s14 =	simm.s32 $0x1A000  }
.LBB2_3:
0xbb: {  	[sflag:s3] =	ssyncadd.s32 $0xFFFFE000  }
0xbc: {  	[tilespmem:s2], [sflag:$0x1] =	stream.linear.gather [hbm4b:s6+s2], $0x2000, $0x38;
	[tilespmem:$0x1C000] =	vst v63  }
0xbd: {  	s7 =	rddreg [dreg:$0x4]  }
0xbe: {  	[tilespmem:s5], [sflag:$0x2] =	stream.linear.gather [hbm4b:s7+s2], $0x2000, $0x38;
	[tilespmem:$0x1C000] =	vst v63  }
0xbf: {  	s6 =	rddreg [dreg:$0x5]  }
0xc0: {  	[tilespmem:s31], [sflag:$0x3] =	stream.linear.gather [hbm4b:s6+s2], $0x2000, $0x38;
	[tilespmem:$0x1C000] =	vst v63  }
0xc1: {  	s8 =	rddreg [dreg:$0x6];
	s5 =	simm.s32 $0x6000  }
0xc2: {  	[tilespmem:s5], [sflag:$0x4] =	stream.linear.gather [hbm4b:s8+s2], $0x2000, $0x38;
	[tilespmem:$0x1C000] =	vst v63  }
0xc3: {  	s6 =	rddreg [dreg:$0x7]  }
0xc4: {  	[tilespmem:s21], [sflag:$0x5] =	stream.linear.gather [hbm4b:s6+s2], $0x2000, $0x38;
	[tilespmem:$0x1C000] =	vst v63  }
0xc5: {  	s8 =	rddreg [dreg:$0x8]  }
0xc6: {  	[tilespmem:s26], [sflag:$0x6] =	stream.linear.gather [hbm4b:s8+s2], $0x2000, $0x38;
	[tilespmem:$0x1C000] =	vst v63  }
0xc7: {  	s6 =	rddreg [dreg:$0x9]  }
0xc8: {  	[tilespmem:s20], [sflag:$0x7] =	stream.linear.gather [hbm4b:s6+s2], $0x2000, $0x38;
	[tilespmem:$0x1C000] =	vst v63  }
0xc9: {  	s8 =	rddreg [dreg:$0xa]  }
0xca: {  	[tilespmem:s18], [sflag:$0x8] =	stream.linear.gather [hbm4b:s8+s2], $0x2000, $0x38;
	[tilespmem:$0x1C000] =	vst v63  }
0xcb: {  	s6 =	rddreg [dreg:$0xb]  }
0xcc: {  	[tilespmem:s9], [sflag:$0x9] =	stream.linear.gather [hbm4b:s6+s2], $0x2000, $0x38;
	[tilespmem:$0x1C000] =	vst v63  }
0xcd: {  	s8 =	rddreg [dreg:$0xc]  }
0xce: {  	[tilespmem:s15], [sflag:$0xA] =	stream.linear.gather [hbm4b:s8+s2], $0x2000, $0x38;
	[tilespmem:$0x1C000] =	vst v63  }
0xcf: {  	s6 =	rddreg [dreg:$0xd];
	s8 =	simm.s32 $0x14000  }
0xd0: {  	[tilespmem:s8], [sflag:$0xB] =	stream.linear.gather [hbm4b:s6+s2], $0x2000, $0x38;
	[tilespmem:$0x1C000] =	vst v63  }
0xd1: {  	s7 =	rddreg [dreg:$0xe]  }
0xd2: {  	[tilespmem:s12], [sflag:$0xC] =	stream.linear.gather [hbm4b:s7+s2], $0x2000, $0x38;
	[tilespmem:$0x1C000] =	vst v63  }
0xd3: {  	s6 =	rddreg [dreg:$0xf]  }
0xd4: {  	[tilespmem:s17], [sflag:$0xD] =	stream.linear.gather [hbm4b:s6+s2], $0x2000, $0x38;
	[tilespmem:$0x1C000] =	vst v63  }
0xd5: {  	s7 =	rddreg [dreg:$0x10]  }
0xd6: {  	[tilespmem:s14], [sflag:$0xE] =	stream.linear.gather [hbm4b:s7+s2], $0x2000, $0x38;
	[tilespmem:$0x1C000] =	vst v63  }
0xd7: {  	_ =	swait.ge [sflag:s13], $0x2000  }
0xd8: {  	[sflag:s13] =	ssyncset.done $0x0  }
0xd9: {  	s6 =	rddreg [dreg:$0x11];
	[sflag:s13] =	ssyncadd.s32 $0xFFFFE000  }
0xda: {  	[hbm4b:s6+s2] =	stream.linear.scatter [tilespmem:s2], [sflag:$0xF], $0x2000, $0x38;
	[tilespmem:$0x1C000] =	vst v63  }
0xdb: {  	_ =	swait.ge [sflag:s4], $0x2000  }
0xdc: {  	[sflag:s4] =	ssyncset.done $0x0  }
0xdd: {  	s6 =	rddreg [dreg:$0x12];
	[sflag:s4] =	ssyncadd.s32 $0xFFFFE000  }
0xde: {  	[tilespmem:s2], [sflag:$0x1] =	stream.linear.gather [hbm4b:s6+s2], $0x2000, $0x38;
	[tilespmem:$0x1C000] =	vst v63  }
0xdf: {  	_ =	swait.ge [sflag:s11], $0x2000  }
0xe0: {  	[sflag:s11] =	ssyncset.done $0x0  }
0xe1: {  	s6 =	rddreg [dreg:$0x13];
	[sflag:s11] =	ssyncadd.s32 $0xFFFFE000  }
0xe2: {  	[hbm4b:s6+s2] =	stream.linear.scatter [tilespmem:s29], [sflag:$0x10], $0x2000, $0x38;
	[tilespmem:$0x1C000] =	vst v63  }
0xe3: {  	_ =	swait.ge [sflag:s3], $0x2000  }
0xe4: {  	[sflag:s3] =	ssyncset.done $0x0  }
0xe5: {  	s6 =	rddreg [dreg:$0x14];
	[sflag:s3] =	ssyncadd.s32 $0xFFFFE000  }
0xe6: {  	[tilespmem:s29], [sflag:$0x2] =	stream.linear.gather [hbm4b:s6+s2], $0x2000, $0x38;
	[tilespmem:$0x1C000] =	vst v63  }
0xe7: {  	_ =	swait.ge [sflag:s10], $0x2000  }
0xe8: {  	[sflag:s10] =	ssyncset.done $0x0  }
0xe9: {  	s6 =	rddreg [dreg:$0x15];
	[sflag:s10] =	ssyncadd.s32 $0xFFFFE000  }
0xea: {  	[hbm4b:s6+s2] =	stream.linear.scatter [tilespmem:s31], [sflag:$0x11], $0x2000, $0x38;
	[tilespmem:$0x1C000] =	vst v63  }
0xeb: {  	_ =	swait.ge [sflag:s22], $0x2000  }
0xec: {  	[sflag:s22] =	ssyncset.done $0x0  }
0xed: {  	s6 =	rddreg [dreg:$0x16];
	[sflag:s22] =	ssyncadd.s32 $0xFFFFE000  }
0xee: {  	[hbm4b:s6+s2] =	stream.linear.scatter [tilespmem:s5], [sflag:$0x12], $0x2000, $0x38;
	[tilespmem:$0x1C000] =	vst v63  }
0xef: {  	_ =	swait.ge [sflag:s16], $0x2000  }
0xf0: {  	[sflag:s16] =	ssyncset.done $0x0  }
0xf1: {  	s6 =	rddreg [dreg:$0x17];
	[sflag:s16] =	ssyncadd.s32 $0xFFFFE000  }
0xf2: {  	[hbm4b:s6+s2] =	stream.linear.scatter [tilespmem:s21], [sflag:$0x13], $0x2000, $0x38;
	[tilespmem:$0x1C000] =	vst v63  }
0xf3: {  	_ =	swait.ge [sflag:s0], $0x2000  }
0xf4: {  	[sflag:s0] =	ssyncset.done $0x0  }
0xf5: {  	s6 =	rddreg [dreg:$0x18];
	[sflag:s0] =	ssyncadd.s32 $0xFFFFE000  }
0xf6: {  	[hbm4b:s6+s2] =	stream.linear.scatter [tilespmem:s26], [sflag:$0x14], $0x2000, $0x38;
	[tilespmem:$0x1C000] =	vst v63  }
0xf7: {  	_ =	swait.ge [sflag:s30], $0x2000  }
0xf8: {  	[sflag:s30] =	ssyncset.done $0x0  }
0xf9: {  	s6 =	rddreg [dreg:$0x19];
	[sflag:s30] =	ssyncadd.s32 $0xFFFFE000  }
0xfa: {  	[hbm4b:s6+s2] =	stream.linear.scatter [tilespmem:s20], [sflag:$0x15], $0x2000, $0x38;
	[tilespmem:$0x1C000] =	vst v63  }
0xfb: {  	_ =	swait.ge [sflag:s28], $0x2000  }
0xfc: {  	[sflag:s28] =	ssyncset.done $0x0  }
0xfd: {  	s6 =	rddreg [dreg:$0x1a];
	[sflag:s28] =	ssyncadd.s32 $0xFFFFE000  }
0xfe: {  	[hbm4b:s6+s2] =	stream.linear.scatter [tilespmem:s18], [sflag:$0x16], $0x2000, $0x38;
	[tilespmem:$0x1C000] =	vst v63  }
0xff: {  	_ =	swait.ge [sflag:s25], $0x2000  }
0x100: {  	[sflag:s25] =	ssyncset.done $0x0  }
0x101: {  	s6 =	rddreg [dreg:$0x1b];
	[sflag:s25] =	ssyncadd.s32 $0xFFFFE000  }
0x102: {  	[hbm4b:s6+s2] =	stream.linear.scatter [tilespmem:s9], [sflag:$0x17], $0x2000, $0x38;
	[tilespmem:$0x1C000] =	vst v63  }
0x103: {  	_ =	swait.ge [sflag:s23], $0x2000  }
0x104: {  	[sflag:s23] =	ssyncset.done $0x0  }
0x105: {  	s6 =	rddreg [dreg:$0x1c];
	[sflag:s23] =	ssyncadd.s32 $0xFFFFE000  }
0x106: {  	[hbm4b:s6+s2] =	stream.linear.scatter [tilespmem:s15], [sflag:$0x18], $0x2000, $0x38;
	[tilespmem:$0x1C000] =	vst v63  }
0x107: {  	_ =	swait.ge [sflag:s19], $0x2000  }
0x108: {  	[sflag:s19] =	ssyncset.done $0x0  }
0x109: {  	s6 =	rddreg [dreg:$0x1d];
	[sflag:s19] =	ssyncadd.s32 $0xFFFFE000  }
0x10a: {  	[hbm4b:s6+s2] =	stream.linear.scatter [tilespmem:s8], [sflag:$0x19], $0x2000, $0x38;
	[tilespmem:$0x1C000] =	vst v63  }
0x10b: {  	_ =	swait.ge [sflag:s1], $0x2000  }
0x10c: {  	[sflag:s1] =	ssyncset.done $0x0  }
0x10d: {  	s8 =	rddreg [dreg:$0x1e];
	[sflag:s1] =	ssyncadd.s32 $0xFFFFE000  }
0x10e: {  	[hbm4b:s8+s2] =	stream.linear.scatter [tilespmem:s12], [sflag:$0x1A], $0x2000, $0x38;
	[tilespmem:$0x1C000] =	vst v63  }
0x10f: {  	s8 =	simm.s32 $0xD  }
0x110: {  	_ =	swait.ge [sflag:s8], $0x2000  }
0x111: {  	[sflag:s8] =	ssyncset.done $0x0  }
0x112: {  	s6 =	rddreg [dreg:$0x1f];
	[sflag:s8] =	ssyncadd.s32 $0xFFFFE000;
	s8 =	simm.s32 $0xE  }
0x113: {  	[hbm4b:s6+s2] =	stream.linear.scatter [tilespmem:s17], [sflag:$0x1B], $0x2000, $0x38;
	[tilespmem:$0x1C000] =	vst v63  }
0x114: {  	_ =	swait.ge [sflag:s8], $0x2000  }
0x115: {  	s6 =	sld [smem:$0x7FB]  }
0x116: {  	[sflag:s8] =	ssyncset.done $0x0  }
0x117: {  	[sflag:s8] =	ssyncadd.s32 $0xFFFFE000  }
0x118: {  	[hbm4b:s6+s2] =	stream.linear.scatter [tilespmem:s14], [sflag:$0x1C], $0x2000, $0x38;
	[tilespmem:$0x1C000] =	vst v63  }
0x119: {  	_ =	swait.ge [sflag:s13], $0x2000  }
0x11a: {  	s8 =	sld [smem:$0x7FC]  }
0x11b: {  	[sflag:s13] =	ssyncset.done $0x0  }
0x11c: {  	[sflag:s13] =	ssyncadd.s32 $0xFFFFE000  }
0x11d: {  	[hbm4b:s8+s2] =	stream.linear.scatter [tilespmem:s2], [sflag:$0xF], $0x2000, $0x38;
	[tilespmem:$0x1C000] =	vst v63  }
0x11e: {  	_ =	swait.ge [sflag:s11], $0x2000  }
0x11f: {  	s8 =	sld [smem:$0x7FD]  }
0x120: {  	[sflag:s11] =	ssyncset.done $0x0  }
0x121: {  	s5 =	simm.s32 $0x2000;
	[sflag:s11] =	ssyncadd.s32 $0xFFFFE000  }
0x122: {  	[hbm4b:s8+s2] =	stream.linear.scatter [tilespmem:s5], [sflag:$0x10], $0x2000, $0x38;
	[tilespmem:$0x1C000] =	vst v63  }
0x123: {  	s8 =	simm.s32 $0x11  }
0x124: {  	_ =	swait.ge [sflag:s8], $0x2000  }
0x125: {  	[sflag:s8] =	ssyncset.done $0x0  }
0x126: {  	[sflag:s8] =	ssyncadd.s32 $0xFFFFE000;
	s8 =	simm.s32 $0x12  }
0x127: {  	_ =	swait.ge [sflag:s8], $0x2000  }
0x128: {  	[sflag:s8] =	ssyncset.done $0x0  }
0x129: {  	[sflag:s8] =	ssyncadd.s32 $0xFFFFE000;
	s8 =	simm.s32 $0x13  }
0x12a: {  	_ =	swait.ge [sflag:s8], $0x2000  }
0x12b: {  	[sflag:s8] =	ssyncset.done $0x0  }
0x12c: {  	[sflag:s8] =	ssyncadd.s32 $0xFFFFE000;
	s8 =	simm.s32 $0x14  }
0x12d: {  	_ =	swait.ge [sflag:s8], $0x2000  }
0x12e: {  	[sflag:s8] =	ssyncset.done $0x0  }
0x12f: {  	[sflag:s8] =	ssyncadd.s32 $0xFFFFE000;
	s8 =	simm.s32 $0x15  }
0x130: {  	_ =	swait.ge [sflag:s8], $0x2000  }
0x131: {  	[sflag:s8] =	ssyncset.done $0x0  }
0x132: {  	[sflag:s8] =	ssyncadd.s32 $0xFFFFE000;
	s8 =	simm.s32 $0x16  }
0x133: {  	_ =	swait.ge [sflag:s8], $0x2000  }
0x134: {  	[sflag:s8] =	ssyncset.done $0x0  }
0x135: {  	[sflag:s8] =	ssyncadd.s32 $0xFFFFE000;
	s8 =	simm.s32 $0x17  }
0x136: {  	_ =	swait.ge [sflag:s8], $0x2000  }
0x137: {  	[sflag:s8] =	ssyncset.done $0x0  }
0x138: {  	[sflag:s8] =	ssyncadd.s32 $0xFFFFE000;
	s8 =	simm.s32 $0x18  }
0x139: {  	_ =	swait.ge [sflag:s8], $0x2000  }
0x13a: {  	[sflag:s8] =	ssyncset.done $0x0  }
0x13b: {  	[sflag:s8] =	ssyncadd.s32 $0xFFFFE000;
	s8 =	simm.s32 $0x19  }
0x13c: {  	_ =	swait.ge [sflag:s8], $0x2000  }
0x13d: {  	[sflag:s8] =	ssyncset.done $0x0  }
0x13e: {  	[sflag:s8] =	ssyncadd.s32 $0xFFFFE000;
	s8 =	simm.s32 $0x1A  }
0x13f: {  	_ =	swait.ge [sflag:s8], $0x2000  }
0x140: {  	[sflag:s8] =	ssyncset.done $0x0  }
0x141: {  	[sflag:s8] =	ssyncadd.s32 $0xFFFFE000;
	s8 =	simm.s32 $0x1B  }
0x142: {  	_ =	swait.ge [sflag:s8], $0x2000  }
0x143: {  	[sflag:s8] =	ssyncset.done $0x0  }
0x144: {  	s7 =	simm.s32 $0x1C;
	[sflag:s8] =	ssyncadd.s32 $0xFFFFE000  }
0x145: {  	_ =	swait.ge [sflag:s7], $0x2000  }
0x146: {  	[sflag:s7] =	ssyncset.done $0x0  }
0x147: {  	p1 =	sne.s32 s24, $0x1;
	[sflag:s7] =	ssyncadd.s32 $0xFFFFE000  }
.Ltmp2:
0x148: {  	_ =	swait.ge [sflag:s4], $0x2000;
	(pc) =	sbr.rel @p1 .LBB2_3-.Ltmp2, $4  }
0x149: {  	[sflag:s4] =	ssyncset.done $0x0  }
0x14a: {  	[sflag:s4] =	ssyncadd.s32 $0xFFFFE000  }
0x14b: {  	_ =	swait.ge [sflag:s3], $0x2000  }
0x14c: {  	s24 =	sadd.s32 $0xFFFFFFFF, s24;
	s6 =	rddreg [dreg:$0x3];
	[sflag:s3] =	ssyncset.done $0x0  }
0x14d: {  	s24 =	rddreg [dreg:$0x2]  }
.LBB2_5:
0x14e: {  	[sflag:s3] =	ssyncadd.s32 @p0 $0xFFFFE000  }
0x14f: {  	[tilespmem:s2], [sflag:$0x1] =	stream.linear.gather [hbm4b:s6+s2], $0x2000, $0x38;
	[tilespmem:$0x1C000] =	vst v63  }
0x150: {  	s7 =	rddreg [dreg:$0x4]  }
0x151: {  	[tilespmem:s5], [sflag:$0x2] =	stream.linear.gather [hbm4b:s7+s2], $0x2000, $0x38;
	[tilespmem:$0x1C000] =	vst v63  }
0x152: {  	s23 =	rddreg [dreg:$0x5];
	s21 =	simm.s32 $0x4000  }
0x153: {  	[tilespmem:s21], [sflag:$0x3] =	stream.linear.gather [hbm4b:s23+s2], $0x2000, $0x38;
	[tilespmem:$0x1C000] =	vst v63  }
0x154: {  	s25 =	rddreg [dreg:$0x6];
	s20 =	simm.s32 $0x6000  }
0x155: {  	[tilespmem:s20], [sflag:$0x4] =	stream.linear.gather [hbm4b:s25+s2], $0x2000, $0x38;
	[tilespmem:$0x1C000] =	vst v63  }
0x156: {  	s26 =	rddreg [dreg:$0x7];
	s19 =	simm.s32 $0x8000  }
0x157: {  	[tilespmem:s19], [sflag:$0x5] =	stream.linear.gather [hbm4b:s26+s2], $0x2000, $0x38;
	[tilespmem:$0x1C000] =	vst v63  }
0x158: {  	s28 =	rddreg [dreg:$0x8];
	s1 =	simm.s32 $0xA000  }
0x159: {  	[tilespmem:s1], [sflag:$0x6] =	stream.linear.gather [hbm4b:s28+s2], $0x2000, $0x38;
	[tilespmem:$0x1C000] =	vst v63  }
0x15a: {  	s29 =	rddreg [dreg:$0x9];
	s18 =	simm.s32 $0xC000  }
0x15b: {  	[tilespmem:s18], [sflag:$0x7] =	stream.linear.gather [hbm4b:s29+s2], $0x2000, $0x38;
	[tilespmem:$0x1C000] =	vst v63  }
0x15c: {  	s30 =	rddreg [dreg:$0xa];
	s17 =	simm.s32 $0xE000  }
0x15d: {  	[tilespmem:s17], [sflag:$0x8] =	stream.linear.gather [hbm4b:s30+s2], $0x2000, $0x38;
	[tilespmem:$0x1C000] =	vst v63  }
0x15e: {  	s31 =	rddreg [dreg:$0xb];
	s15 =	simm.s32 $0x10000  }
0x15f: {  	[tilespmem:s15], [sflag:$0x9] =	stream.linear.gather [hbm4b:s31+s2], $0x2000, $0x38;
	[tilespmem:$0x1C000] =	vst v63  }
0x160: {  	s0 =	rddreg [dreg:$0xc];
	s14 =	simm.s32 $0x12000  }
0x161: {  	[tilespmem:s14], [sflag:$0xA] =	stream.linear.gather [hbm4b:s0+s2], $0x2000, $0x38;
	[tilespmem:$0x1C000] =	vst v63  }
0x162: {  	s8 =	rddreg [dreg:$0xd];
	s12 =	simm.s32 $0x14000  }
0x163: {  	[tilespmem:s12], [sflag:$0xB] =	stream.linear.gather [hbm4b:s8+s2], $0x2000, $0x38;
	[tilespmem:$0x1C000] =	vst v63  }
0x164: {  	s9 =	rddreg [dreg:$0xe];
	s10 =	simm.s32 $0x16000  }
0x165: {  	[tilespmem:s10], [sflag:$0xC] =	stream.linear.gather [hbm4b:s9+s2], $0x2000, $0x38;
	[tilespmem:$0x1C000] =	vst v63  }
0x166: {  	s16 =	rddreg [dreg:$0xf];
	s9 =	simm.s32 $0x18000  }
0x167: {  	[tilespmem:s9], [sflag:$0xD] =	stream.linear.gather [hbm4b:s16+s2], $0x2000, $0x38;
	[tilespmem:$0x1C000] =	vst v63  }
0x168: {  	s22 =	rddreg [dreg:$0x10];
	s8 =	simm.s32 $0x1A000  }
0x169: {  	[tilespmem:s8], [sflag:$0xE] =	stream.linear.gather [hbm4b:s22+s2], $0x2000, $0x38;
	[tilespmem:$0x1C000] =	vst v63  }
0x16a: {  	_ =	swait.ge [sflag:s13], $0x2000  }
0x16b: {  	[sflag:s13] =	ssyncset.done $0x0  }
0x16c: {  	s23 =	rddreg [dreg:$0x11];
	[sflag:s13] =	ssyncadd.s32 $0xFFFFE000  }
0x16d: {  	[hbm4b:s23+s2] =	stream.linear.scatter [tilespmem:s2], [sflag:$0xF], $0x2000, $0x38;
	[tilespmem:$0x1C000] =	vst v63  }
0x16e: {  	_ =	swait.ge [sflag:s4], $0x2000  }
0x16f: {  	[sflag:s4] =	ssyncset.done $0x0  }
0x170: {  	s25 =	rddreg [dreg:$0x12];
	[sflag:s4] =	ssyncadd.s32 $0xFFFFE000  }
0x171: {  	[tilespmem:s2], [sflag:$0x1] =	stream.linear.gather [hbm4b:s25+s2], $0x2000, $0x38;
	[tilespmem:$0x1C000] =	vst v63  }
0x172: {  	_ =	swait.ge [sflag:s11], $0x2000  }
0x173: {  	[sflag:s11] =	ssyncset.done $0x0  }
0x174: {  	s26 =	rddreg [dreg:$0x13];
	[sflag:s11] =	ssyncadd.s32 $0xFFFFE000  }
0x175: {  	[hbm4b:s26+s2] =	stream.linear.scatter [tilespmem:s5], [sflag:$0x10], $0x2000, $0x38;
	[tilespmem:$0x1C000] =	vst v63  }
0x176: {  	_ =	swait.ge [sflag:s3], $0x2000  }
0x177: {  	[sflag:s3] =	ssyncset.done $0x0  }
0x178: {  	s0 =	simm.s32 $0x3;
	s28 =	rddreg [dreg:$0x14];
	[sflag:s3] =	ssyncadd.s32 $0xFFFFE000  }
0x179: {  	[tilespmem:s5], [sflag:$0x2] =	stream.linear.gather [hbm4b:s28+s2], $0x2000, $0x38;
	[tilespmem:$0x1C000] =	vst v63  }
0x17a: {  	_ =	swait.ge [sflag:s0], $0x2000  }
0x17b: {  	[sflag:s0] =	ssyncset.done $0x0  }
0x17c: {  	s30 =	simm.s32 $0x4;
	s29 =	rddreg [dreg:$0x15];
	[sflag:s0] =	ssyncadd.s32 $0xFFFFE000  }
0x17d: {  	[hbm4b:s29+s2] =	stream.linear.scatter [tilespmem:s21], [sflag:$0x11], $0x2000, $0x38;
	[tilespmem:$0x1C000] =	vst v63  }
0x17e: {  	_ =	swait.ge [sflag:s30], $0x2000  }
0x17f: {  	[sflag:s30] =	ssyncset.done $0x0  }
0x180: {  	s6 =	simm.s32 $0x5;
	s31 =	rddreg [dreg:$0x16];
	[sflag:s30] =	ssyncadd.s32 $0xFFFFE000  }
0x181: {  	[hbm4b:s31+s2] =	stream.linear.scatter [tilespmem:s20], [sflag:$0x12], $0x2000, $0x38;
	[tilespmem:$0x1C000] =	vst v63  }
0x182: {  	_ =	swait.ge [sflag:s6], $0x2000  }
0x183: {  	[sflag:s6] =	ssyncset.done $0x0  }
0x184: {  	s16 =	simm.s32 $0x6;
	s7 =	rddreg [dreg:$0x17];
	[sflag:s6] =	ssyncadd.s32 $0xFFFFE000  }
0x185: {  	[hbm4b:s7+s2] =	stream.linear.scatter [tilespmem:s19], [sflag:$0x13], $0x2000, $0x38;
	[tilespmem:$0x1C000] =	vst v63  }
0x186: {  	_ =	swait.ge [sflag:s16], $0x2000  }
0x187: {  	[sflag:s16] =	ssyncset.done $0x0  }
0x188: {  	s20 =	simm.s32 $0x7;
	s19 =	rddreg [dreg:$0x18];
	[sflag:s16] =	ssyncadd.s32 $0xFFFFE000  }
0x189: {  	[hbm4b:s19+s2] =	stream.linear.scatter [tilespmem:s1], [sflag:$0x14], $0x2000, $0x38;
	[tilespmem:$0x1C000] =	vst v63  }
0x18a: {  	_ =	swait.ge [sflag:s20], $0x2000  }
0x18b: {  	[sflag:s20] =	ssyncset.done $0x0  }
0x18c: {  	s22 =	simm.s32 $0x8;
	s21 =	rddreg [dreg:$0x19];
	[sflag:s20] =	ssyncadd.s32 $0xFFFFE000  }
0x18d: {  	[hbm4b:s21+s2] =	stream.linear.scatter [tilespmem:s18], [sflag:$0x15], $0x2000, $0x38;
	[tilespmem:$0x1C000] =	vst v63  }
0x18e: {  	_ =	swait.ge [sflag:s22], $0x2000  }
0x18f: {  	[sflag:s22] =	ssyncset.done $0x0  }
0x190: {  	s25 =	simm.s32 $0x9;
	s23 =	rddreg [dreg:$0x1a];
	[sflag:s22] =	ssyncadd.s32 $0xFFFFE000  }
0x191: {  	[hbm4b:s23+s2] =	stream.linear.scatter [tilespmem:s17], [sflag:$0x16], $0x2000, $0x38;
	[tilespmem:$0x1C000] =	vst v63  }
0x192: {  	_ =	swait.ge [sflag:s25], $0x2000  }
0x193: {  	[sflag:s25] =	ssyncset.done $0x0  }
0x194: {  	s28 =	simm.s32 $0xA;
	s26 =	rddreg [dreg:$0x1b];
	[sflag:s25] =	ssyncadd.s32 $0xFFFFE000  }
0x195: {  	[hbm4b:s26+s2] =	stream.linear.scatter [tilespmem:s15], [sflag:$0x17], $0x2000, $0x38;
	[tilespmem:$0x1C000] =	vst v63  }
0x196: {  	_ =	swait.ge [sflag:s28], $0x2000  }
0x197: {  	[sflag:s28] =	ssyncset.done $0x0  }
0x198: {  	s30 =	simm.s32 $0xB;
	s29 =	rddreg [dreg:$0x1c];
	[sflag:s28] =	ssyncadd.s32 $0xFFFFE000  }
0x199: {  	[hbm4b:s29+s2] =	stream.linear.scatter [tilespmem:s14], [sflag:$0x18], $0x2000, $0x38;
	[tilespmem:$0x1C000] =	vst v63  }
0x19a: {  	_ =	swait.ge [sflag:s30], $0x2000  }
0x19b: {  	[sflag:s30] =	ssyncset.done $0x0  }
0x19c: {  	s0 =	simm.s32 $0xC;
	s31 =	rddreg [dreg:$0x1d];
	[sflag:s30] =	ssyncadd.s32 $0xFFFFE000  }
0x19d: {  	[hbm4b:s31+s2] =	stream.linear.scatter [tilespmem:s12], [sflag:$0x19], $0x2000, $0x38;
	[tilespmem:$0x1C000] =	vst v63  }
0x19e: {  	_ =	swait.ge [sflag:s0], $0x2000  }
0x19f: {  	[sflag:s0] =	ssyncset.done $0x0  }
0x1a0: {  	s7 =	simm.s32 $0xD;
	s6 =	rddreg [dreg:$0x1e];
	[sflag:s0] =	ssyncadd.s32 $0xFFFFE000  }
0x1a1: {  	[hbm4b:s6+s2] =	stream.linear.scatter [tilespmem:s10], [sflag:$0x1A], $0x2000, $0x38;
	[tilespmem:$0x1C000] =	vst v63  }
0x1a2: {  	_ =	swait.ge [sflag:s7], $0x2000  }
0x1a3: {  	[sflag:s7] =	ssyncset.done $0x0  }
0x1a4: {  	s12 =	simm.s32 $0xE;
	s10 =	rddreg [dreg:$0x1f];
	[sflag:s7] =	ssyncadd.s32 $0xFFFFE000  }
0x1a5: {  	[hbm4b:s10+s2] =	stream.linear.scatter [tilespmem:s9], [sflag:$0x1B], $0x2000, $0x38;
	[tilespmem:$0x1C000] =	vst v63  }
0x1a6: {  	_ =	swait.ge [sflag:s12], $0x2000  }
0x1a7: {  	s14 =	sld [smem:$0x7FB]  }
0x1a8: {  	[sflag:s12] =	ssyncset.done $0x0  }
0x1a9: {  	[sflag:s12] =	ssyncadd.s32 $0xFFFFE000  }
0x1aa: {  	[hbm4b:s14+s2] =	stream.linear.scatter [tilespmem:s8], [sflag:$0x1C], $0x2000, $0x38;
	[tilespmem:$0x1C000] =	vst v63  }
0x1ab: {  	_ =	swait.ge [sflag:s13], $0x2000  }
0x1ac: {  	s15 =	sld [smem:$0x7FC]  }
0x1ad: {  	[sflag:s13] =	ssyncset.done $0x0  }
0x1ae: {  	[sflag:s13] =	ssyncadd.s32 $0xFFFFE000  }
0x1af: {  	[hbm4b:s15+s2] =	stream.linear.scatter [tilespmem:s2], [sflag:$0xF], $0x2000, $0x38;
	[tilespmem:$0x1C000] =	vst v63  }
0x1b0: {  	_ =	swait.ge [sflag:s11], $0x2000  }
0x1b1: {  	s16 =	sld [smem:$0x7FD]  }
0x1b2: {  	[sflag:s11] =	ssyncset.done $0x0  }
0x1b3: {  	s17 =	simm.s32 $0x11;
	[sflag:s11] =	ssyncadd.s32 $0xFFFFE000  }
0x1b4: {  	[hbm4b:s16+s2] =	stream.linear.scatter [tilespmem:s5], [sflag:$0x10], $0x2000, $0x38;
	[tilespmem:$0x1C000] =	vst v63  }
0x1b5: {  	_ =	swait.ge [sflag:s17], $0x2000  }
0x1b6: {  	[sflag:s17] =	ssyncset.done $0x0  }
0x1b7: {  	s18 =	simm.s32 $0x12;
	[sflag:s17] =	ssyncadd.s32 $0xFFFFE000  }
0x1b8: {  	_ =	swait.ge [sflag:s18], $0x2000  }
0x1b9: {  	[sflag:s18] =	ssyncset.done $0x0  }
0x1ba: {  	s19 =	simm.s32 $0x13;
	[sflag:s18] =	ssyncadd.s32 $0xFFFFE000  }
0x1bb: {  	_ =	swait.ge [sflag:s19], $0x2000  }
0x1bc: {  	[sflag:s19] =	ssyncset.done $0x0  }
0x1bd: {  	s20 =	simm.s32 $0x14;
	[sflag:s19] =	ssyncadd.s32 $0xFFFFE000  }
0x1be: {  	_ =	swait.ge [sflag:s20], $0x2000  }
0x1bf: {  	[sflag:s20] =	ssyncset.done $0x0  }
0x1c0: {  	s21 =	simm.s32 $0x15;
	[sflag:s20] =	ssyncadd.s32 $0xFFFFE000  }
0x1c1: {  	_ =	swait.ge [sflag:s21], $0x2000  }
0x1c2: {  	[sflag:s21] =	ssyncset.done $0x0  }
0x1c3: {  	s22 =	simm.s32 $0x16;
	[sflag:s21] =	ssyncadd.s32 $0xFFFFE000  }
0x1c4: {  	_ =	swait.ge [sflag:s22], $0x2000  }
0x1c5: {  	[sflag:s22] =	ssyncset.done $0x0  }
0x1c6: {  	s23 =	simm.s32 $0x17;
	[sflag:s22] =	ssyncadd.s32 $0xFFFFE000  }
0x1c7: {  	_ =	swait.ge [sflag:s23], $0x2000  }
0x1c8: {  	[sflag:s23] =	ssyncset.done $0x0  }
0x1c9: {  	s25 =	simm.s32 $0x18;
	[sflag:s23] =	ssyncadd.s32 $0xFFFFE000  }
0x1ca: {  	_ =	swait.ge [sflag:s25], $0x2000  }
0x1cb: {  	[sflag:s25] =	ssyncset.done $0x0  }
0x1cc: {  	s26 =	simm.s32 $0x19;
	[sflag:s25] =	ssyncadd.s32 $0xFFFFE000  }
0x1cd: {  	_ =	swait.ge [sflag:s26], $0x2000  }
0x1ce: {  	[sflag:s26] =	ssyncset.done $0x0  }
0x1cf: {  	s28 =	simm.s32 $0x1A;
	[sflag:s26] =	ssyncadd.s32 $0xFFFFE000  }
0x1d0: {  	_ =	swait.ge [sflag:s28], $0x2000  }
0x1d1: {  	[sflag:s28] =	ssyncset.done $0x0  }
0x1d2: {  	s29 =	simm.s32 $0x1B;
	[sflag:s28] =	ssyncadd.s32 $0xFFFFE000  }
0x1d3: {  	_ =	swait.ge [sflag:s29], $0x2000  }
0x1d4: {  	[sflag:s29] =	ssyncset.done $0x0  }
0x1d5: {  	s30 =	simm.s32 $0x1C;
	[sflag:s29] =	ssyncadd.s32 $0xFFFFE000  }
0x1d6: {  	_ =	swait.ge [sflag:s30], $0x2000  }
0x1d7: {  	[sflag:s30] =	ssyncset.done $0x0  }
0x1d8: {  	[sflag:s30] =	ssyncadd.s32 $0xFFFFE000  }
0x1d9: {  	_ =	swait.ge [sflag:s4], $0x2000  }
0x1da: {  	[sflag:s4] =	ssyncset.done $0x0  }
0x1db: {  	[sflag:s4] =	ssyncadd.s32 $0xFFFFE000  }
0x1dc: {  	_ =	swait.ge [sflag:s3], $0x2000  }
0x1dd: {  	[sflag:s3] =	ssyncset.done $0x0  }
0x1de: {  	[sflag:s3] =	ssyncadd.s32 $0xFFFFE000  }
0x1df: {  	_ =	sfence.sel $0x180000  }
0x1e0: {  	s31 =	stileid.u32;
	[bflag:$0x0] =	sbarrier.arrive $0xFFFF  }
0x1e1: {  	p0 =	sne.s32 s31, $0x0;
	_ =	strace $0x90000047  }
0x1e2: {  	s0 =	sadd.s32 @!p0 $0x100000, s24;
	[bflag:$0x2] =	sbarrier.arrive $0xFFFF  }
0x1e3: {  	[sflag:s0] =	ssyncadd.tile.s32 @!p0 $0x1;
	_ =	shalt  }
.LBB2_6:
.Ltmp3:
0x1e4: {  	(pc) =	sbr.rel .LBB2_5-.Ltmp3, $2  }
0x1e5: {  	_ =	sdelay $0x2  }
0x1e6: {  	s24 =	rddreg [dreg:$0x2]  }
.Lfunc_end2:
_tile_overlayer_lowered:
.L_overlay_start_2:
0x1e7: {  	(tag) =	ssettag $0x2  }
0x1e8: {  	s0 =	rddreg [dreg:$0x0];
	s2 =	stileid.u32  }
0x1e9: {  	s1 =	rddreg [dreg:$0x1];
	p0 =	sne.s32 s2, $0x0  }
0x1ea: {  	s3 =	rddreg [dreg:$0x2];
	[bflag:$0x3] =	sbarrier.arrive $0xFFFF;
	s2 =	simm.s32 @!p0 $0x1C1D  }
0x1eb: {  	[timem:s3], [sflag:s2] =	dma.local @!p0 [hbm:s0], s1  }
0x1ec: {  	s0 =	simm.s32 @!p0 $0x1D  }
0x1ed: {  	_ =	swait.ge @!p0 [sflag:s0], s1  }
0x1ee: {  	s1 =	ssub.s32 @!p0 $0x0, s1;
	[sflag:s0] =	ssyncset.done @!p0 $0x0  }
0x1ef: {  	[sflag:s0] =	ssyncadd.s32 @!p0 s1  }
0x1f0: {  	[bflag:$0x3] =	sbarrier.arrive $0xFFFF  }
0x1f1: {  	_ =	shalt  }

</sc_bundles>
